<compile_context>
chip_gen: v7x
topology: tpu7x:2x2x1
jax: 0.10.2.dev20260603
libtpu: 0.0.44.dev20260713+nightly
codegen_flags: <defaults>
</compile_context>

<pallas_src>
import functools

import jax
import jax.numpy as jnp
from jax import lax
from jax.experimental import pallas as pl
from jax.experimental.pallas import tpu as pltpu
from jax.experimental.pallas import tpu_sc as plsc

NC = 2
NS = 16
NW = NC * NS
L = 16

N_TOTAL = 4 * 4096 * 4096
PER_W = N_TOTAL // NW
CHUNK = 32768
NCHUNK = PER_W // CHUNK
UNROLL = 8

_MESH = plsc.VectorSubcoreMesh(
    core_axis_name="c", subcore_axis_name="s", num_cores=NC, num_subcores=NS
)


@functools.partial(
    pl.kernel,
    out_type=jax.ShapeDtypeStruct((NW, L), jnp.float32),
    mesh=_MESH,
    scratch_types=[
        pltpu.VMEM((CHUNK,), jnp.float32),
        pltpu.VMEM((CHUNK,), jnp.float32),
        pltpu.VMEM((256,), jnp.float32),
        pltpu.VMEM((L,), jnp.float32),
        pltpu.SemaphoreType.DMA,
        pltpu.SemaphoreType.DMA,
    ],
    compiler_params=pltpu.CompilerParams(needs_layout_passes=False),
)
def _hamming_partials(x_hbm, lut_hbm, out_hbm, buf0, buf1, lut_v, stage_v,
                      sem0, sem1):
    cid = lax.axis_index("c")
    sid = lax.axis_index("s")
    wid = sid * NC + cid
    base = wid * PER_W

    pltpu.sync_copy(lut_hbm, lut_v)

    bufs = (buf0, buf1)
    sems = (sem0, sem1)

    pltpu.async_copy(x_hbm.at[pl.ds(base, CHUNK)], buf0, sem0)
    pltpu.async_copy(x_hbm.at[pl.ds(base + CHUNK, CHUNK)], buf1, sem1)

    def pair_body(p, acc):
        for b in range(2):
            ci = p * 2 + b
            buf = bufs[b]
            sem = sems[b]
            pltpu.make_async_copy(x_hbm.at[pl.ds(base, CHUNK)], buf, sem).wait()

            def vec_body(j, a, buf=buf):
                for u in range(UNROLL):
                    off = (j * UNROLL + u) * L
                    xv = buf[pl.ds(off, L)]
                    t = xv + 128.0
                    t1 = xv + 127.0
                    uu = jnp.minimum(t, 255.0)
                    uu = jnp.maximum(uu, 0.0)
                    i = uu.astype(jnp.int32)
                    g = plsc.load_gather(lut_v, [i])
                    e = t1 - i.astype(jnp.float32)
                    a = a + g * e
                return a

            acc = lax.fori_loop(0, CHUNK // L // UNROLL, vec_body, acc)

            @pl.when(ci + 2 < NCHUNK)
            def _(buf=buf, sem=sem, ci=ci):
                pltpu.async_copy(
                    x_hbm.at[pl.ds(base + (ci + 2) * CHUNK, CHUNK)], buf, sem
                )
        return acc

    acc = lax.fori_loop(0, NCHUNK // 2, pair_body, jnp.zeros((L,), jnp.float32))
    stage_v[...] = acc
    pltpu.sync_copy(stage_v, out_hbm.at[wid])


def kernel(x, hms):
    hv = hms[255]
    lutg = hv - hms
    partials = _hamming_partials(x.reshape(-1), lutg)
    return hv * jnp.float32(N_TOTAL) + jnp.sum(partials)

# --- scband reference (transcript-rebuilt; emitter-appended) ---
"""Pipeline reference for scband-hamming-loss-30786325577995 (READ-ONLY COPY).

The authoritative reference and input builder live on the scoring server;
editing this copy changes nothing except your own understanding.
"""

import jax, jax.numpy as jnp
import numpy as np


def _make_hms(bit=8):
    nums = list(range(-128, 128, 1))
    hms = [np.binary_repr(i, width=8).replace('0b', '').count('1') for i in nums]
    return jnp.asarray(np.array(hms, dtype=np.float32))


def setup_inputs(seed: int = 0) -> dict:
    key = jax.random.key(seed)
    x = jax.random.normal(key, (4, 4096, 4096), dtype=jnp.float32)
    hms = _make_hms(bit=8)
    return {"x": x, "hms": hms}


def reference(x, hms):
    # bit == 8 branch; reduce == 'sum' (default in harness usage)
    x = x + 128.0
    low = jnp.floor(x).astype(jnp.int32)
    high = jnp.ceil(x).astype(jnp.int32)
    # Faithful to torch: Tensor.clip_(v) clamps the MIN to v (first positional arg is min).
    low = jnp.clip(low, 0, None)
    high = jnp.clip(high, 2 ** 8 - 1, None)
    low_val = jnp.take(hms, low, axis=0, mode='clip')
    high_val = jnp.take(hms, high, axis=0, mode='clip')
    frac = x - low.astype(jnp.float32)
    ret = low_val + frac * (high_val - low_val)  # torch.lerp
    return ret.sum()

if __name__ == "__main__":
    import jax
    _d = setup_inputs()
    print(jax.jit(kernel)(*tuple(_d.values())))

</pallas_src>

<mosaic_0001>
#map = affine_map<(d0, d1) -> (0)>
#map1 = affine_map<(d0, d1) -> (0, 0)>
module attributes {stable_mosaic.version = 14 : i64} {
  func.func @_hamming_partials(%arg0: i32, %arg1: i32, %arg2: memref<67108864xf32, #tpu.memory_space<hbm>>, %arg3: memref<256xf32, #tpu.memory_space<hbm>>, %arg4: memref<32x16xf32, #tpu.memory_space<hbm>>, %arg5: memref<32768xf32, #tpu.memory_space<vmem>>, %arg6: memref<32768xf32, #tpu.memory_space<vmem>>, %arg7: memref<256xf32, #tpu.memory_space<vmem>>, %arg8: memref<16xf32, #tpu.memory_space<vmem>>, %arg9: memref<!tpu.dma_semaphore, #tpu.memory_space<semaphore_mem>>, %arg10: memref<!tpu.dma_semaphore, #tpu.memory_space<semaphore_mem>>) attributes {dimension_semantics = [#tpu.dimension_semantics<core_parallel>, #tpu.dimension_semantics<subcore_parallel>], iteration_bounds = array<i64: 2, 16>, scalar_prefetch = 0 : i64, scratch_operands = 6 : i64, tpu.core_type = #tpu.core_type<sc_vector_subcore>, window_params = [{transform_indices = #map}, {transform_indices = #map}, {transform_indices = #map1}]} {
    %mul3A = arith.constant 2 : i32
    %mul3A_0 = arith.muli %arg1, %mul3A : i32
    %add3A = arith.addi %mul3A_0, %arg0 : i32
    %mul3A_1 = arith.constant 2097152 : i32
    %mul3A_2 = arith.muli %add3A, %mul3A_1 : i32
    "tpu.region"() ({
      %run_scoped3A = tpu.sem_alloc : memref<!tpu.dma_semaphore, #tpu.memory_space<semaphore_mem>>
      tpu.enqueue_dma source(%arg3 : memref<256xf32, #tpu.memory_space<hbm>>) target(%arg7 : memref<256xf32, #tpu.memory_space<vmem>>) target_semaphore(%run_scoped3A : memref<!tpu.dma_semaphore, #tpu.memory_space<semaphore_mem>>)
      tpu.wait_dma2 semaphore(%run_scoped3A : memref<!tpu.dma_semaphore, #tpu.memory_space<semaphore_mem>>) src(%arg3 : memref<256xf32, #tpu.memory_space<hbm>>) dst(%arg7 : memref<256xf32, #tpu.memory_space<vmem>>)
      tpu.yield
    }) : () -> ()
    %dma_start3A = tpu.memref_slice %arg2[%mul3A_2] : memref<67108864xf32, #tpu.memory_space<hbm>> -> memref<32768xf32, #tpu.memory_space<hbm>>
    %dma_start3A_3 = tpu.memref_slice %arg2[%mul3A_2] : memref<67108864xf32, #tpu.memory_space<hbm>> -> memref<32768xf32, #tpu.memory_space<hbm>>
    tpu.enqueue_dma source(%dma_start3A_3 : memref<32768xf32, #tpu.memory_space<hbm>>) target(%arg5 : memref<32768xf32, #tpu.memory_space<vmem>>) target_semaphore(%arg9 : memref<!tpu.dma_semaphore, #tpu.memory_space<semaphore_mem>>)
    %add3A_4 = arith.constant 32768 : i32
    %add3A_5 = arith.addi %mul3A_2, %add3A_4 : i32
    %dma_start3A_6 = tpu.memref_slice %arg2[%add3A_5] : memref<67108864xf32, #tpu.memory_space<hbm>> -> memref<32768xf32, #tpu.memory_space<hbm>>
    %dma_start3A_7 = tpu.memref_slice %arg2[%add3A_5] : memref<67108864xf32, #tpu.memory_space<hbm>> -> memref<32768xf32, #tpu.memory_space<hbm>>
    tpu.enqueue_dma source(%dma_start3A_7 : memref<32768xf32, #tpu.memory_space<hbm>>) target(%arg6 : memref<32768xf32, #tpu.memory_space<vmem>>) target_semaphore(%arg10 : memref<!tpu.dma_semaphore, #tpu.memory_space<semaphore_mem>>)
    %broadcast_in_dim3A = arith.constant 0.000000e+00 : f32
    %broadcast_in_dim3A_8 = vector.broadcast %broadcast_in_dim3A : f32 to vector<16xf32>
    %scan3A = arith.constant 0 : i32
    %scan3A_9 = arith.constant 32 : i32
    %scan3A_10 = arith.addi %scan3A, %scan3A_9 : i32
    %scan3A_11 = arith.constant 1 : i32
    %scan3A_12 = scf.for %scan3A_15 = %scan3A to %scan3A_10 step %scan3A_11 iter_args(%scan3A_16 = %broadcast_in_dim3A_8) -> (vector<16xf32>)  : i32 {
      %mul3A_17 = arith.constant 2 : i32
      %mul3A_18 = arith.muli %scan3A_15, %mul3A_17 : i32
      %add3A_19 = arith.constant 0 : i32
      %add3A_20 = arith.addi %mul3A_18, %add3A_19 : i32
      %dma_wait3A = tpu.memref_slice %arg2[%mul3A_2] : memref<67108864xf32, #tpu.memory_space<hbm>> -> memref<32768xf32, #tpu.memory_space<hbm>>
      %dma_wait3A_21 = tpu.memref_slice %arg2[%mul3A_2] : memref<67108864xf32, #tpu.memory_space<hbm>> -> memref<32768xf32, #tpu.memory_space<hbm>>
      tpu.wait_dma2 semaphore(%arg9 : memref<!tpu.dma_semaphore, #tpu.memory_space<semaphore_mem>>) src(%dma_wait3A_21 : memref<32768xf32, #tpu.memory_space<hbm>>) dst(%arg5 : memref<32768xf32, #tpu.memory_space<vmem>>)
      %scan3A_22 = arith.constant 0 : i32
      %scan3A_23 = arith.constant 256 : i32
      %scan3A_24 = arith.addi %scan3A_22, %scan3A_23 : i32
      %scan3A_25 = arith.constant 1 : i32
      %scan3A_26 = scf.for %scan3A_51 = %scan3A_22 to %scan3A_24 step %scan3A_25 iter_args(%scan3A_52 = %scan3A_16) -> (vector<16xf32>)  : i32 {
        %mul3A_53 = arith.constant 8 : i32
        %mul3A_54 = arith.muli %scan3A_51, %mul3A_53 : i32
        %add3A_55 = arith.constant 0 : i32
        %add3A_56 = arith.addi %mul3A_54, %add3A_55 : i32
        %mul3A_57 = arith.constant 16 : i32
        %mul3A_58 = arith.muli %add3A_56, %mul3A_57 : i32
        %get3A = arith.index_cast %mul3A_58 : i32 to index
        %get3A_59 = tpu.vector_load %arg5[%get3A] {strides = array<i32>} : memref<32768xf32, #tpu.memory_space<vmem>>, vector<16xf32>,
        %add3A_60 = arith.constant 1.280000e+02 : f32
        %add3A_61 = vector.broadcast %add3A_60 : f32 to vector<16xf32>
        %add3A_62 = arith.addf %get3A_59, %add3A_61 : vector<16xf32>
        %add3A_63 = arith.constant 1.270000e+02 : f32
        %add3A_64 = vector.broadcast %add3A_63 : f32 to vector<16xf32>
        %add3A_65 = arith.addf %get3A_59, %add3A_64 : vector<16xf32>
        %min3A = arith.constant 2.550000e+02 : f32
        %min3A_66 = vector.broadcast %min3A : f32 to vector<16xf32>
        %min3A_67 = arith.minimumf %add3A_62, %min3A_66 : vector<16xf32>
        %max3A = arith.constant 0.000000e+00 : f32
        %max3A_68 = vector.broadcast %max3A : f32 to vector<16xf32>
        %max3A_69 = arith.maximumf %min3A_67, %max3A_68 : vector<16xf32>
        %convert_element_type3A_70 = arith.fptosi %max3A_69 : vector<16xf32> to vector<16xi32>
        %gather3A = tpu.vector_load_idx %arg7[%convert_element_type3A_70] : memref<256xf32, #tpu.memory_space<vmem>>[vector<16xi32>], vector<16xf32>,
        %convert_element_type3A_71 = arith.sitofp %convert_element_type3A_70 : vector<16xi32> to vector<16xf32>
        %sub3A = arith.subf %add3A_65, %convert_element_type3A_71 : vector<16xf32>
        %mul3A_72 = arith.mulf %gather3A, %sub3A : vector<16xf32>
        %add3A_73 = arith.addf %scan3A_52, %mul3A_72 : vector<16xf32>
        %mul3A_74 = arith.constant 8 : i32
        %mul3A_75 = arith.muli %scan3A_51, %mul3A_74 : i32
        %add3A_76 = arith.constant 1 : i32
        %add3A_77 = arith.addi %mul3A_75, %add3A_76 : i32
        %mul3A_78 = arith.constant 16 : i32
        %mul3A_79 = arith.muli %add3A_77, %mul3A_78 : i32
        %get3A_80 = arith.index_cast %mul3A_79 : i32 to index
        %get3A_81 = tpu.vector_load %arg5[%get3A_80] {strides = array<i32>} : memref<32768xf32, #tpu.memory_space<vmem>>, vector<16xf32>,
        %add3A_82 = arith.constant 1.280000e+02 : f32
        %add3A_83 = vector.broadcast %add3A_82 : f32 to vector<16xf32>
        %add3A_84 = arith.addf %get3A_81, %add3A_83 : vector<16xf32>
        %add3A_85 = arith.constant 1.270000e+02 : f32
        %add3A_86 = vector.broadcast %add3A_85 : f32 to vector<16xf32>
        %add3A_87 = arith.addf %get3A_81, %add3A_86 : vector<16xf32>
        %min3A_88 = arith.constant 2.550000e+02 : f32
        %min3A_89 = vector.broadcast %min3A_88 : f32 to vector<16xf32>
        %min3A_90 = arith.minimumf %add3A_84, %min3A_89 : vector<16xf32>
        %max3A_91 = arith.constant 0.000000e+00 : f32
        %max3A_92 = vector.broadcast %max3A_91 : f32 to vector<16xf32>
        %max3A_93 = arith.maximumf %min3A_90, %max3A_92 : vector<16xf32>
        %convert_element_type3A_94 = arith.fptosi %max3A_93 : vector<16xf32> to vector<16xi32>
        %gather3A_95 = tpu.vector_load_idx %arg7[%convert_element_type3A_94] : memref<256xf32, #tpu.memory_space<vmem>>[vector<16xi32>], vector<16xf32>,
        %convert_element_type3A_96 = arith.sitofp %convert_element_type3A_94 : vector<16xi32> to vector<16xf32>
        %sub3A_97 = arith.subf %add3A_87, %convert_element_type3A_96 : vector<16xf32>
        %mul3A_98 = arith.mulf %gather3A_95, %sub3A_97 : vector<16xf32>
        %add3A_99 = arith.addf %add3A_73, %mul3A_98 : vector<16xf32>
        %mul3A_100 = arith.constant 8 : i32
        %mul3A_101 = arith.muli %scan3A_51, %mul3A_100 : i32
        %add3A_102 = arith.constant 2 : i32
        %add3A_103 = arith.addi %mul3A_101, %add3A_102 : i32
        %mul3A_104 = arith.constant 16 : i32
        %mul3A_105 = arith.muli %add3A_103, %mul3A_104 : i32
        %get3A_106 = arith.index_cast %mul3A_105 : i32 to index
        %get3A_107 = tpu.vector_load %arg5[%get3A_106] {strides = array<i32>} : memref<32768xf32, #tpu.memory_space<vmem>>, vector<16xf32>,
        %add3A_108 = arith.constant 1.280000e+02 : f32
        %add3A_109 = vector.broadcast %add3A_108 : f32 to vector<16xf32>
        %add3A_110 = arith.addf %get3A_107, %add3A_109 : vector<16xf32>
        %add3A_111 = arith.constant 1.270000e+02 : f32
        %add3A_112 = vector.broadcast %add3A_111 : f32 to vector<16xf32>
        %add3A_113 = arith.addf %get3A_107, %add3A_112 : vector<16xf32>
        %min3A_114 = arith.constant 2.550000e+02 : f32
        %min3A_115 = vector.broadcast %min3A_114 : f32 to vector<16xf32>
        %min3A_116 = arith.minimumf %add3A_110, %min3A_115 : vector<16xf32>
        %max3A_117 = arith.constant 0.000000e+00 : f32
        %max3A_118 = vector.broadcast %max3A_117 : f32 to vector<16xf32>
        %max3A_119 = arith.maximumf %min3A_116, %max3A_118 : vector<16xf32>
        %convert_element_type3A_120 = arith.fptosi %max3A_119 : vector<16xf32> to vector<16xi32>
        %gather3A_121 = tpu.vector_load_idx %arg7[%convert_element_type3A_120] : memref<256xf32, #tpu.memory_space<vmem>>[vector<16xi32>], vector<16xf32>,
        %convert_element_type3A_122 = arith.sitofp %convert_element_type3A_120 : vector<16xi32> to vector<16xf32>
        %sub3A_123 = arith.subf %add3A_113, %convert_element_type3A_122 : vector<16xf32>
        %mul3A_124 = arith.mulf %gather3A_121, %sub3A_123 : vector<16xf32>
        %add3A_125 = arith.addf %add3A_99, %mul3A_124 : vector<16xf32>
        %mul3A_126 = arith.constant 8 : i32
        %mul3A_127 = arith.muli %scan3A_51, %mul3A_126 : i32
        %add3A_128 = arith.constant 3 : i32
        %add3A_129 = arith.addi %mul3A_127, %add3A_128 : i32
        %mul3A_130 = arith.constant 16 : i32
        %mul3A_131 = arith.muli %add3A_129, %mul3A_130 : i32
        %get3A_132 = arith.index_cast %mul3A_131 : i32 to index
        %get3A_133 = tpu.vector_load %arg5[%get3A_132] {strides = array<i32>} : memref<32768xf32, #tpu.memory_space<vmem>>, vector<16xf32>,
        %add3A_134 = arith.constant 1.280000e+02 : f32
        %add3A_135 = vector.broadcast %add3A_134 : f32 to vector<16xf32>
        %add3A_136 = arith.addf %get3A_133, %add3A_135 : vector<16xf32>
        %add3A_137 = arith.constant 1.270000e+02 : f32
        %add3A_138 = vector.broadcast %add3A_137 : f32 to vector<16xf32>
        %add3A_139 = arith.addf %get3A_133, %add3A_138 : vector<16xf32>
        %min3A_140 = arith.constant 2.550000e+02 : f32
        %min3A_141 = vector.broadcast %min3A_140 : f32 to vector<16xf32>
        %min3A_142 = arith.minimumf %add3A_136, %min3A_141 : vector<16xf32>
        %max3A_143 = arith.constant 0.000000e+00 : f32
        %max3A_144 = vector.broadcast %max3A_143 : f32 to vector<16xf32>
        %max3A_145 = arith.maximumf %min3A_142, %max3A_144 : vector<16xf32>
        %convert_element_type3A_146 = arith.fptosi %max3A_145 : vector<16xf32> to vector<16xi32>
        %gather3A_147 = tpu.vector_load_idx %arg7[%convert_element_type3A_146] : memref<256xf32, #tpu.memory_space<vmem>>[vector<16xi32>], vector<16xf32>,
        %convert_element_type3A_148 = arith.sitofp %convert_element_type3A_146 : vector<16xi32> to vector<16xf32>
        %sub3A_149 = arith.subf %add3A_139, %convert_element_type3A_148 : vector<16xf32>
        %mul3A_150 = arith.mulf %gather3A_147, %sub3A_149 : vector<16xf32>
        %add3A_151 = arith.addf %add3A_125, %mul3A_150 : vector<16xf32>
        %mul3A_152 = arith.constant 8 : i32
        %mul3A_153 = arith.muli %scan3A_51, %mul3A_152 : i32
        %add3A_154 = arith.constant 4 : i32
        %add3A_155 = arith.addi %mul3A_153, %add3A_154 : i32
        %mul3A_156 = arith.constant 16 : i32
        %mul3A_157 = arith.muli %add3A_155, %mul3A_156 : i32
        %get3A_158 = arith.index_cast %mul3A_157 : i32 to index
        %get3A_159 = tpu.vector_load %arg5[%get3A_158] {strides = array<i32>} : memref<32768xf32, #tpu.memory_space<vmem>>, vector<16xf32>,
        %add3A_160 = arith.constant 1.280000e+02 : f32
        %add3A_161 = vector.broadcast %add3A_160 : f32 to vector<16xf32>
        %add3A_162 = arith.addf %get3A_159, %add3A_161 : vector<16xf32>
        %add3A_163 = arith.constant 1.270000e+02 : f32
        %add3A_164 = vector.broadcast %add3A_163 : f32 to vector<16xf32>
        %add3A_165 = arith.addf %get3A_159, %add3A_164 : vector<16xf32>
        %min3A_166 = arith.constant 2.550000e+02 : f32
        %min3A_167 = vector.broadcast %min3A_166 : f32 to vector<16xf32>
        %min3A_168 = arith.minimumf %add3A_162, %min3A_167 : vector<16xf32>
        %max3A_169 = arith.constant 0.000000e+00 : f32
        %max3A_170 = vector.broadcast %max3A_169 : f32 to vector<16xf32>
        %max3A_171 = arith.maximumf %min3A_168, %max3A_170 : vector<16xf32>
        %convert_element_type3A_172 = arith.fptosi %max3A_171 : vector<16xf32> to vector<16xi32>
        %gather3A_173 = tpu.vector_load_idx %arg7[%convert_element_type3A_172] : memref<256xf32, #tpu.memory_space<vmem>>[vector<16xi32>], vector<16xf32>,
        %convert_element_type3A_174 = arith.sitofp %convert_element_type3A_172 : vector<16xi32> to vector<16xf32>
        %sub3A_175 = arith.subf %add3A_165, %convert_element_type3A_174 : vector<16xf32>
        %mul3A_176 = arith.mulf %gather3A_173, %sub3A_175 : vector<16xf32>
        %add3A_177 = arith.addf %add3A_151, %mul3A_176 : vector<16xf32>
        %mul3A_178 = arith.constant 8 : i32
        %mul3A_179 = arith.muli %scan3A_51, %mul3A_178 : i32
        %add3A_180 = arith.constant 5 : i32
        %add3A_181 = arith.addi %mul3A_179, %add3A_180 : i32
        %mul3A_182 = arith.constant 16 : i32
        %mul3A_183 = arith.muli %add3A_181, %mul3A_182 : i32
        %get3A_184 = arith.index_cast %mul3A_183 : i32 to index
        %get3A_185 = tpu.vector_load %arg5[%get3A_184] {strides = array<i32>} : memref<32768xf32, #tpu.memory_space<vmem>>, vector<16xf32>,
        %add3A_186 = arith.constant 1.280000e+02 : f32
        %add3A_187 = vector.broadcast %add3A_186 : f32 to vector<16xf32>
        %add3A_188 = arith.addf %get3A_185, %add3A_187 : vector<16xf32>
        %add3A_189 = arith.constant 1.270000e+02 : f32
        %add3A_190 = vector.broadcast %add3A_189 : f32 to vector<16xf32>
        %add3A_191 = arith.addf %get3A_185, %add3A_190 : vector<16xf32>
        %min3A_192 = arith.constant 2.550000e+02 : f32
        %min3A_193 = vector.broadcast %min3A_192 : f32 to vector<16xf32>
        %min3A_194 = arith.minimumf %add3A_188, %min3A_193 : vector<16xf32>
        %max3A_195 = arith.constant 0.000000e+00 : f32
        %max3A_196 = vector.broadcast %max3A_195 : f32 to vector<16xf32>
        %max3A_197 = arith.maximumf %min3A_194, %max3A_196 : vector<16xf32>
        %convert_element_type3A_198 = arith.fptosi %max3A_197 : vector<16xf32> to vector<16xi32>
        %gather3A_199 = tpu.vector_load_idx %arg7[%convert_element_type3A_198] : memref<256xf32, #tpu.memory_space<vmem>>[vector<16xi32>], vector<16xf32>,
        %convert_element_type3A_200 = arith.sitofp %convert_element_type3A_198 : vector<16xi32> to vector<16xf32>
        %sub3A_201 = arith.subf %add3A_191, %convert_element_type3A_200 : vector<16xf32>
        %mul3A_202 = arith.mulf %gather3A_199, %sub3A_201 : vector<16xf32>
        %add3A_203 = arith.addf %add3A_177, %mul3A_202 : vector<16xf32>
        %mul3A_204 = arith.constant 8 : i32
        %mul3A_205 = arith.muli %scan3A_51, %mul3A_204 : i32
        %add3A_206 = arith.constant 6 : i32
        %add3A_207 = arith.addi %mul3A_205, %add3A_206 : i32
        %mul3A_208 = arith.constant 16 : i32
        %mul3A_209 = arith.muli %add3A_207, %mul3A_208 : i32
        %get3A_210 = arith.index_cast %mul3A_209 : i32 to index
        %get3A_211 = tpu.vector_load %arg5[%get3A_210] {strides = array<i32>} : memref<32768xf32, #tpu.memory_space<vmem>>, vector<16xf32>,
        %add3A_212 = arith.constant 1.280000e+02 : f32
        %add3A_213 = vector.broadcast %add3A_212 : f32 to vector<16xf32>
        %add3A_214 = arith.addf %get3A_211, %add3A_213 : vector<16xf32>
        %add3A_215 = arith.constant 1.270000e+02 : f32
        %add3A_216 = vector.broadcast %add3A_215 : f32 to vector<16xf32>
        %add3A_217 = arith.addf %get3A_211, %add3A_216 : vector<16xf32>
        %min3A_218 = arith.constant 2.550000e+02 : f32
        %min3A_219 = vector.broadcast %min3A_218 : f32 to vector<16xf32>
        %min3A_220 = arith.minimumf %add3A_214, %min3A_219 : vector<16xf32>
        %max3A_221 = arith.constant 0.000000e+00 : f32
        %max3A_222 = vector.broadcast %max3A_221 : f32 to vector<16xf32>
        %max3A_223 = arith.maximumf %min3A_220, %max3A_222 : vector<16xf32>
        %convert_element_type3A_224 = arith.fptosi %max3A_223 : vector<16xf32> to vector<16xi32>
        %gather3A_225 = tpu.vector_load_idx %arg7[%convert_element_type3A_224] : memref<256xf32, #tpu.memory_space<vmem>>[vector<16xi32>], vector<16xf32>,
        %convert_element_type3A_226 = arith.sitofp %convert_element_type3A_224 : vector<16xi32> to vector<16xf32>
        %sub3A_227 = arith.subf %add3A_217, %convert_element_type3A_226 : vector<16xf32>
        %mul3A_228 = arith.mulf %gather3A_225, %sub3A_227 : vector<16xf32>
        %add3A_229 = arith.addf %add3A_203, %mul3A_228 : vector<16xf32>
        %mul3A_230 = arith.constant 8 : i32
        %mul3A_231 = arith.muli %scan3A_51, %mul3A_230 : i32
        %add3A_232 = arith.constant 7 : i32
        %add3A_233 = arith.addi %mul3A_231, %add3A_232 : i32
        %mul3A_234 = arith.constant 16 : i32
        %mul3A_235 = arith.muli %add3A_233, %mul3A_234 : i32
        %get3A_236 = arith.index_cast %mul3A_235 : i32 to index
        %get3A_237 = tpu.vector_load %arg5[%get3A_236] {strides = array<i32>} : memref<32768xf32, #tpu.memory_space<vmem>>, vector<16xf32>,
        %add3A_238 = arith.constant 1.280000e+02 : f32
        %add3A_239 = vector.broadcast %add3A_238 : f32 to vector<16xf32>
        %add3A_240 = arith.addf %get3A_237, %add3A_239 : vector<16xf32>
        %add3A_241 = arith.constant 1.270000e+02 : f32
        %add3A_242 = vector.broadcast %add3A_241 : f32 to vector<16xf32>
        %add3A_243 = arith.addf %get3A_237, %add3A_242 : vector<16xf32>
        %min3A_244 = arith.constant 2.550000e+02 : f32
        %min3A_245 = vector.broadcast %min3A_244 : f32 to vector<16xf32>
        %min3A_246 = arith.minimumf %add3A_240, %min3A_245 : vector<16xf32>
        %max3A_247 = arith.constant 0.000000e+00 : f32
        %max3A_248 = vector.broadcast %max3A_247 : f32 to vector<16xf32>
        %max3A_249 = arith.maximumf %min3A_246, %max3A_248 : vector<16xf32>
        %convert_element_type3A_250 = arith.fptosi %max3A_249 : vector<16xf32> to vector<16xi32>
        %gather3A_251 = tpu.vector_load_idx %arg7[%convert_element_type3A_250] : memref<256xf32, #tpu.memory_space<vmem>>[vector<16xi32>], vector<16xf32>,
        %convert_element_type3A_252 = arith.sitofp %convert_element_type3A_250 : vector<16xi32> to vector<16xf32>
        %sub3A_253 = arith.subf %add3A_243, %convert_element_type3A_252 : vector<16xf32>
        %mul3A_254 = arith.mulf %gather3A_251, %sub3A_253 : vector<16xf32>
        %add3A_255 = arith.addf %add3A_229, %mul3A_254 : vector<16xf32>
        scf.yield %add3A_255 : vector<16xf32>
      }
      %scan3A_27 = arith.constant 256 : i32
      %add3A_28 = arith.constant 2 : i32
      %add3A_29 = arith.addi %add3A_20, %add3A_28 : i32
      %lt3A = arith.constant 64 : i32
      %lt3A_30 = arith.cmpi slt, %add3A_29, %lt3A : i32
      %convert_element_type3A = arith.extui %lt3A_30 : i1 to i32
      %cond3A = arith.constant 0 : i32
      %cond3A_31 = arith.cmpi ne, %convert_element_type3A, %cond3A : i32
      scf.if %cond3A_31 {
        %add3A_51 = arith.constant 2 : i32
        %add3A_52 = arith.addi %add3A_20, %add3A_51 : i32
        %mul3A_53 = arith.constant 32768 : i32
        %mul3A_54 = arith.muli %add3A_52, %mul3A_53 : i32
        %add3A_55 = arith.addi %mul3A_2, %mul3A_54 : i32
        %dma_start3A_56 = tpu.memref_slice %arg2[%add3A_55] : memref<67108864xf32, #tpu.memory_space<hbm>> -> memref<32768xf32, #tpu.memory_space<hbm>>
        %dma_start3A_57 = tpu.memref_slice %arg2[%add3A_55] : memref<67108864xf32, #tpu.memory_space<hbm>> -> memref<32768xf32, #tpu.memory_space<hbm>>
        tpu.enqueue_dma source(%dma_start3A_57 : memref<32768xf32, #tpu.memory_space<hbm>>) target(%arg5 : memref<32768xf32, #tpu.memory_space<vmem>>) target_semaphore(%arg9 : memref<!tpu.dma_semaphore, #tpu.memory_space<semaphore_mem>>)
      } else {
      }
      %mul3A_32 = arith.constant 2 : i32
      %mul3A_33 = arith.muli %scan3A_15, %mul3A_32 : i32
      %add3A_34 = arith.constant 1 : i32
      %add3A_35 = arith.addi %mul3A_33, %add3A_34 : i32
      %dma_wait3A_36 = tpu.memref_slice %arg2[%mul3A_2] : memref<67108864xf32, #tpu.memory_space<hbm>> -> memref<32768xf32, #tpu.memory_space<hbm>>
      %dma_wait3A_37 = tpu.memref_slice %arg2[%mul3A_2] : memref<67108864xf32, #tpu.memory_space<hbm>> -> memref<32768xf32, #tpu.memory_space<hbm>>
      tpu.wait_dma2 semaphore(%arg10 : memref<!tpu.dma_semaphore, #tpu.memory_space<semaphore_mem>>) src(%dma_wait3A_37 : memref<32768xf32, #tpu.memory_space<hbm>>) dst(%arg6 : memref<32768xf32, #tpu.memory_space<vmem>>)
      %scan3A_38 = arith.constant 0 : i32
      %scan3A_39 = arith.constant 256 : i32
      %scan3A_40 = arith.addi %scan3A_38, %scan3A_39 : i32
      %scan3A_41 = arith.constant 1 : i32
      %scan3A_42 = scf.for %scan3A_51 = %scan3A_38 to %scan3A_40 step %scan3A_41 iter_args(%scan3A_52 = %scan3A_26) -> (vector<16xf32>)  : i32 {
        %mul3A_53 = arith.constant 8 : i32
        %mul3A_54 = arith.muli %scan3A_51, %mul3A_53 : i32
        %add3A_55 = arith.constant 0 : i32
        %add3A_56 = arith.addi %mul3A_54, %add3A_55 : i32
        %mul3A_57 = arith.constant 16 : i32
        %mul3A_58 = arith.muli %add3A_56, %mul3A_57 : i32
        %get3A = arith.index_cast %mul3A_58 : i32 to index
        %get3A_59 = tpu.vector_load %arg6[%get3A] {strides = array<i32>} : memref<32768xf32, #tpu.memory_space<vmem>>, vector<16xf32>,
        %add3A_60 = arith.constant 1.280000e+02 : f32
        %add3A_61 = vector.broadcast %add3A_60 : f32 to vector<16xf32>
        %add3A_62 = arith.addf %get3A_59, %add3A_61 : vector<16xf32>
        %add3A_63 = arith.constant 1.270000e+02 : f32
        %add3A_64 = vector.broadcast %add3A_63 : f32 to vector<16xf32>
        %add3A_65 = arith.addf %get3A_59, %add3A_64 : vector<16xf32>
        %min3A = arith.constant 2.550000e+02 : f32
        %min3A_66 = vector.broadcast %min3A : f32 to vector<16xf32>
        %min3A_67 = arith.minimumf %add3A_62, %min3A_66 : vector<16xf32>
        %max3A = arith.constant 0.000000e+00 : f32
        %max3A_68 = vector.broadcast %max3A : f32 to vector<16xf32>
        %max3A_69 = arith.maximumf %min3A_67, %max3A_68 : vector<16xf32>
        %convert_element_type3A_70 = arith.fptosi %max3A_69 : vector<16xf32> to vector<16xi32>
        %gather3A = tpu.vector_load_idx %arg7[%convert_element_type3A_70] : memref<256xf32, #tpu.memory_space<vmem>>[vector<16xi32>], vector<16xf32>,
        %convert_element_type3A_71 = arith.sitofp %convert_element_type3A_70 : vector<16xi32> to vector<16xf32>
        %sub3A = arith.subf %add3A_65, %convert_element_type3A_71 : vector<16xf32>
        %mul3A_72 = arith.mulf %gather3A, %sub3A : vector<16xf32>
        %add3A_73 = arith.addf %scan3A_52, %mul3A_72 : vector<16xf32>
        %mul3A_74 = arith.constant 8 : i32
        %mul3A_75 = arith.muli %scan3A_51, %mul3A_74 : i32
        %add3A_76 = arith.constant 1 : i32
        %add3A_77 = arith.addi %mul3A_75, %add3A_76 : i32
        %mul3A_78 = arith.constant 16 : i32
        %mul3A_79 = arith.muli %add3A_77, %mul3A_78 : i32
        %get3A_80 = arith.index_cast %mul3A_79 : i32 to index
        %get3A_81 = tpu.vector_load %arg6[%get3A_80] {strides = array<i32>} : memref<32768xf32, #tpu.memory_space<vmem>>, vector<16xf32>,
        %add3A_82 = arith.constant 1.280000e+02 : f32
        %add3A_83 = vector.broadcast %add3A_82 : f32 to vector<16xf32>
        %add3A_84 = arith.addf %get3A_81, %add3A_83 : vector<16xf32>
        %add3A_85 = arith.constant 1.270000e+02 : f32
        %add3A_86 = vector.broadcast %add3A_85 : f32 to vector<16xf32>
        %add3A_87 = arith.addf %get3A_81, %add3A_86 : vector<16xf32>
        %min3A_88 = arith.constant 2.550000e+02 : f32
        %min3A_89 = vector.broadcast %min3A_88 : f32 to vector<16xf32>
        %min3A_90 = arith.minimumf %add3A_84, %min3A_89 : vector<16xf32>
        %max3A_91 = arith.constant 0.000000e+00 : f32
        %max3A_92 = vector.broadcast %max3A_91 : f32 to vector<16xf32>
        %max3A_93 = arith.maximumf %min3A_90, %max3A_92 : vector<16xf32>
        %convert_element_type3A_94 = arith.fptosi %max3A_93 : vector<16xf32> to vector<16xi32>
        %gather3A_95 = tpu.vector_load_idx %arg7[%convert_element_type3A_94] : memref<256xf32, #tpu.memory_space<vmem>>[vector<16xi32>], vector<16xf32>,
        %convert_element_type3A_96 = arith.sitofp %convert_element_type3A_94 : vector<16xi32> to vector<16xf32>
        %sub3A_97 = arith.subf %add3A_87, %convert_element_type3A_96 : vector<16xf32>
        %mul3A_98 = arith.mulf %gather3A_95, %sub3A_97 : vector<16xf32>
        %add3A_99 = arith.addf %add3A_73, %mul3A_98 : vector<16xf32>
        %mul3A_100 = arith.constant 8 : i32
        %mul3A_101 = arith.muli %scan3A_51, %mul3A_100 : i32
        %add3A_102 = arith.constant 2 : i32
        %add3A_103 = arith.addi %mul3A_101, %add3A_102 : i32
        %mul3A_104 = arith.constant 16 : i32
        %mul3A_105 = arith.muli %add3A_103, %mul3A_104 : i32
        %get3A_106 = arith.index_cast %mul3A_105 : i32 to index
        %get3A_107 = tpu.vector_load %arg6[%get3A_106] {strides = array<i32>} : memref<32768xf32, #tpu.memory_space<vmem>>, vector<16xf32>,
        %add3A_108 = arith.constant 1.280000e+02 : f32
        %add3A_109 = vector.broadcast %add3A_108 : f32 to vector<16xf32>
        %add3A_110 = arith.addf %get3A_107, %add3A_109 : vector<16xf32>
        %add3A_111 = arith.constant 1.270000e+02 : f32
        %add3A_112 = vector.broadcast %add3A_111 : f32 to vector<16xf32>
        %add3A_113 = arith.addf %get3A_107, %add3A_112 : vector<16xf32>
        %min3A_114 = arith.constant 2.550000e+02 : f32
        %min3A_115 = vector.broadcast %min3A_114 : f32 to vector<16xf32>
        %min3A_116 = arith.minimumf %add3A_110, %min3A_115 : vector<16xf32>
        %max3A_117 = arith.constant 0.000000e+00 : f32
        %max3A_118 = vector.broadcast %max3A_117 : f32 to vector<16xf32>
        %max3A_119 = arith.maximumf %min3A_116, %max3A_118 : vector<16xf32>
        %convert_element_type3A_120 = arith.fptosi %max3A_119 : vector<16xf32> to vector<16xi32>
        %gather3A_121 = tpu.vector_load_idx %arg7[%convert_element_type3A_120] : memref<256xf32, #tpu.memory_space<vmem>>[vector<16xi32>], vector<16xf32>,
        %convert_element_type3A_122 = arith.sitofp %convert_element_type3A_120 : vector<16xi32> to vector<16xf32>
        %sub3A_123 = arith.subf %add3A_113, %convert_element_type3A_122 : vector<16xf32>
        %mul3A_124 = arith.mulf %gather3A_121, %sub3A_123 : vector<16xf32>
        %add3A_125 = arith.addf %add3A_99, %mul3A_124 : vector<16xf32>
        %mul3A_126 = arith.constant 8 : i32
        %mul3A_127 = arith.muli %scan3A_51, %mul3A_126 : i32
        %add3A_128 = arith.constant 3 : i32
        %add3A_129 = arith.addi %mul3A_127, %add3A_128 : i32
        %mul3A_130 = arith.constant 16 : i32
        %mul3A_131 = arith.muli %add3A_129, %mul3A_130 : i32
        %get3A_132 = arith.index_cast %mul3A_131 : i32 to index
        %get3A_133 = tpu.vector_load %arg6[%get3A_132] {strides = array<i32>} : memref<32768xf32, #tpu.memory_space<vmem>>, vector<16xf32>,
        %add3A_134 = arith.constant 1.280000e+02 : f32
        %add3A_135 = vector.broadcast %add3A_134 : f32 to vector<16xf32>
        %add3A_136 = arith.addf %get3A_133, %add3A_135 : vector<16xf32>
        %add3A_137 = arith.constant 1.270000e+02 : f32
        %add3A_138 = vector.broadcast %add3A_137 : f32 to vector<16xf32>
        %add3A_139 = arith.addf %get3A_133, %add3A_138 : vector<16xf32>
        %min3A_140 = arith.constant 2.550000e+02 : f32
        %min3A_141 = vector.broadcast %min3A_140 : f32 to vector<16xf32>
        %min3A_142 = arith.minimumf %add3A_136, %min3A_141 : vector<16xf32>
        %max3A_143 = arith.constant 0.000000e+00 : f32
        %max3A_144 = vector.broadcast %max3A_143 : f32 to vector<16xf32>
        %max3A_145 = arith.maximumf %min3A_142, %max3A_144 : vector<16xf32>
        %convert_element_type3A_146 = arith.fptosi %max3A_145 : vector<16xf32> to vector<16xi32>
        %gather3A_147 = tpu.vector_load_idx %arg7[%convert_element_type3A_146] : memref<256xf32, #tpu.memory_space<vmem>>[vector<16xi32>], vector<16xf32>,
        %convert_element_type3A_148 = arith.sitofp %convert_element_type3A_146 : vector<16xi32> to vector<16xf32>
        %sub3A_149 = arith.subf %add3A_139, %convert_element_type3A_148 : vector<16xf32>
        %mul3A_150 = arith.mulf %gather3A_147, %sub3A_149 : vector<16xf32>
        %add3A_151 = arith.addf %add3A_125, %mul3A_150 : vector<16xf32>
        %mul3A_152 = arith.constant 8 : i32
        %mul3A_153 = arith.muli %scan3A_51, %mul3A_152 : i32
        %add3A_154 = arith.constant 4 : i32
        %add3A_155 = arith.addi %mul3A_153, %add3A_154 : i32
        %mul3A_156 = arith.constant 16 : i32
        %mul3A_157 = arith.muli %add3A_155, %mul3A_156 : i32
        %get3A_158 = arith.index_cast %mul3A_157 : i32 to index
        %get3A_159 = tpu.vector_load %arg6[%get3A_158] {strides = array<i32>} : memref<32768xf32, #tpu.memory_space<vmem>>, vector<16xf32>,
        %add3A_160 = arith.constant 1.280000e+02 : f32
        %add3A_161 = vector.broadcast %add3A_160 : f32 to vector<16xf32>
        %add3A_162 = arith.addf %get3A_159, %add3A_161 : vector<16xf32>
        %add3A_163 = arith.constant 1.270000e+02 : f32
        %add3A_164 = vector.broadcast %add3A_163 : f32 to vector<16xf32>
        %add3A_165 = arith.addf %get3A_159, %add3A_164 : vector<16xf32>
        %min3A_166 = arith.constant 2.550000e+02 : f32
        %min3A_167 = vector.broadcast %min3A_166 : f32 to vector<16xf32>
        %min3A_168 = arith.minimumf %add3A_162, %min3A_167 : vector<16xf32>
        %max3A_169 = arith.constant 0.000000e+00 : f32
        %max3A_170 = vector.broadcast %max3A_169 : f32 to vector<16xf32>
        %max3A_171 = arith.maximumf %min3A_168, %max3A_170 : vector<16xf32>
        %convert_element_type3A_172 = arith.fptosi %max3A_171 : vector<16xf32> to vector<16xi32>
        %gather3A_173 = tpu.vector_load_idx %arg7[%convert_element_type3A_172] : memref<256xf32, #tpu.memory_space<vmem>>[vector<16xi32>], vector<16xf32>,
        %convert_element_type3A_174 = arith.sitofp %convert_element_type3A_172 : vector<16xi32> to vector<16xf32>
        %sub3A_175 = arith.subf %add3A_165, %convert_element_type3A_174 : vector<16xf32>
        %mul3A_176 = arith.mulf %gather3A_173, %sub3A_175 : vector<16xf32>
        %add3A_177 = arith.addf %add3A_151, %mul3A_176 : vector<16xf32>
        %mul3A_178 = arith.constant 8 : i32
        %mul3A_179 = arith.muli %scan3A_51, %mul3A_178 : i32
        %add3A_180 = arith.constant 5 : i32
        %add3A_181 = arith.addi %mul3A_179, %add3A_180 : i32
        %mul3A_182 = arith.constant 16 : i32
        %mul3A_183 = arith.muli %add3A_181, %mul3A_182 : i32
        %get3A_184 = arith.index_cast %mul3A_183 : i32 to index
        %get3A_185 = tpu.vector_load %arg6[%get3A_184] {strides = array<i32>} : memref<32768xf32, #tpu.memory_space<vmem>>, vector<16xf32>,
        %add3A_186 = arith.constant 1.280000e+02 : f32
        %add3A_187 = vector.broadcast %add3A_186 : f32 to vector<16xf32>
        %add3A_188 = arith.addf %get3A_185, %add3A_187 : vector<16xf32>
        %add3A_189 = arith.constant 1.270000e+02 : f32
        %add3A_190 = vector.broadcast %add3A_189 : f32 to vector<16xf32>
        %add3A_191 = arith.addf %get3A_185, %add3A_190 : vector<16xf32>
        %min3A_192 = arith.constant 2.550000e+02 : f32
        %min3A_193 = vector.broadcast %min3A_192 : f32 to vector<16xf32>
        %min3A_194 = arith.minimumf %add3A_188, %min3A_193 : vector<16xf32>
        %max3A_195 = arith.constant 0.000000e+00 : f32
        %max3A_196 = vector.broadcast %max3A_195 : f32 to vector<16xf32>
        %max3A_197 = arith.maximumf %min3A_194, %max3A_196 : vector<16xf32>
        %convert_element_type3A_198 = arith.fptosi %max3A_197 : vector<16xf32> to vector<16xi32>
        %gather3A_199 = tpu.vector_load_idx %arg7[%convert_element_type3A_198] : memref<256xf32, #tpu.memory_space<vmem>>[vector<16xi32>], vector<16xf32>,
        %convert_element_type3A_200 = arith.sitofp %convert_element_type3A_198 : vector<16xi32> to vector<16xf32>
        %sub3A_201 = arith.subf %add3A_191, %convert_element_type3A_200 : vector<16xf32>
        %mul3A_202 = arith.mulf %gather3A_199, %sub3A_201 : vector<16xf32>
        %add3A_203 = arith.addf %add3A_177, %mul3A_202 : vector<16xf32>
        %mul3A_204 = arith.constant 8 : i32
        %mul3A_205 = arith.muli %scan3A_51, %mul3A_204 : i32
        %add3A_206 = arith.constant 6 : i32
        %add3A_207 = arith.addi %mul3A_205, %add3A_206 : i32
        %mul3A_208 = arith.constant 16 : i32
        %mul3A_209 = arith.muli %add3A_207, %mul3A_208 : i32
        %get3A_210 = arith.index_cast %mul3A_209 : i32 to index
        %get3A_211 = tpu.vector_load %arg6[%get3A_210] {strides = array<i32>} : memref<32768xf32, #tpu.memory_space<vmem>>, vector<16xf32>,
        %add3A_212 = arith.constant 1.280000e+02 : f32
        %add3A_213 = vector.broadcast %add3A_212 : f32 to vector<16xf32>
        %add3A_214 = arith.addf %get3A_211, %add3A_213 : vector<16xf32>
        %add3A_215 = arith.constant 1.270000e+02 : f32
        %add3A_216 = vector.broadcast %add3A_215 : f32 to vector<16xf32>
        %add3A_217 = arith.addf %get3A_211, %add3A_216 : vector<16xf32>
        %min3A_218 = arith.constant 2.550000e+02 : f32
        %min3A_219 = vector.broadcast %min3A_218 : f32 to vector<16xf32>
        %min3A_220 = arith.minimumf %add3A_214, %min3A_219 : vector<16xf32>
        %max3A_221 = arith.constant 0.000000e+00 : f32
        %max3A_222 = vector.broadcast %max3A_221 : f32 to vector<16xf32>
        %max3A_223 = arith.maximumf %min3A_220, %max3A_222 : vector<16xf32>
        %convert_element_type3A_224 = arith.fptosi %max3A_223 : vector<16xf32> to vector<16xi32>
        %gather3A_225 = tpu.vector_load_idx %arg7[%convert_element_type3A_224] : memref<256xf32, #tpu.memory_space<vmem>>[vector<16xi32>], vector<16xf32>,
        %convert_element_type3A_226 = arith.sitofp %convert_element_type3A_224 : vector<16xi32> to vector<16xf32>
        %sub3A_227 = arith.subf %add3A_217, %convert_element_type3A_226 : vector<16xf32>
        %mul3A_228 = arith.mulf %gather3A_225, %sub3A_227 : vector<16xf32>
        %add3A_229 = arith.addf %add3A_203, %mul3A_228 : vector<16xf32>
        %mul3A_230 = arith.constant 8 : i32
        %mul3A_231 = arith.muli %scan3A_51, %mul3A_230 : i32
        %add3A_232 = arith.constant 7 : i32
        %add3A_233 = arith.addi %mul3A_231, %add3A_232 : i32
        %mul3A_234 = arith.constant 16 : i32
        %mul3A_235 = arith.muli %add3A_233, %mul3A_234 : i32
        %get3A_236 = arith.index_cast %mul3A_235 : i32 to index
        %get3A_237 = tpu.vector_load %arg6[%get3A_236] {strides = array<i32>} : memref<32768xf32, #tpu.memory_space<vmem>>, vector<16xf32>,
        %add3A_238 = arith.constant 1.280000e+02 : f32
        %add3A_239 = vector.broadcast %add3A_238 : f32 to vector<16xf32>
        %add3A_240 = arith.addf %get3A_237, %add3A_239 : vector<16xf32>
        %add3A_241 = arith.constant 1.270000e+02 : f32
        %add3A_242 = vector.broadcast %add3A_241 : f32 to vector<16xf32>
        %add3A_243 = arith.addf %get3A_237, %add3A_242 : vector<16xf32>
        %min3A_244 = arith.constant 2.550000e+02 : f32
        %min3A_245 = vector.broadcast %min3A_244 : f32 to vector<16xf32>
        %min3A_246 = arith.minimumf %add3A_240, %min3A_245 : vector<16xf32>
        %max3A_247 = arith.constant 0.000000e+00 : f32
        %max3A_248 = vector.broadcast %max3A_247 : f32 to vector<16xf32>
        %max3A_249 = arith.maximumf %min3A_246, %max3A_248 : vector<16xf32>
        %convert_element_type3A_250 = arith.fptosi %max3A_249 : vector<16xf32> to vector<16xi32>
        %gather3A_251 = tpu.vector_load_idx %arg7[%convert_element_type3A_250] : memref<256xf32, #tpu.memory_space<vmem>>[vector<16xi32>], vector<16xf32>,
        %convert_element_type3A_252 = arith.sitofp %convert_element_type3A_250 : vector<16xi32> to vector<16xf32>
        %sub3A_253 = arith.subf %add3A_243, %convert_element_type3A_252 : vector<16xf32>
        %mul3A_254 = arith.mulf %gather3A_251, %sub3A_253 : vector<16xf32>
        %add3A_255 = arith.addf %add3A_229, %mul3A_254 : vector<16xf32>
        scf.yield %add3A_255 : vector<16xf32>
      }
      %scan3A_43 = arith.constant 256 : i32
      %add3A_44 = arith.constant 2 : i32
      %add3A_45 = arith.addi %add3A_35, %add3A_44 : i32
      %lt3A_46 = arith.constant 64 : i32
      %lt3A_47 = arith.cmpi slt, %add3A_45, %lt3A_46 : i32
      %convert_element_type3A_48 = arith.extui %lt3A_47 : i1 to i32
      %cond3A_49 = arith.constant 0 : i32
      %cond3A_50 = arith.cmpi ne, %convert_element_type3A_48, %cond3A_49 : i32
      scf.if %cond3A_50 {
        %add3A_51 = arith.constant 2 : i32
        %add3A_52 = arith.addi %add3A_35, %add3A_51 : i32
        %mul3A_53 = arith.constant 32768 : i32
        %mul3A_54 = arith.muli %add3A_52, %mul3A_53 : i32
        %add3A_55 = arith.addi %mul3A_2, %mul3A_54 : i32
        %dma_start3A_56 = tpu.memref_slice %arg2[%add3A_55] : memref<67108864xf32, #tpu.memory_space<hbm>> -> memref<32768xf32, #tpu.memory_space<hbm>>
        %dma_start3A_57 = tpu.memref_slice %arg2[%add3A_55] : memref<67108864xf32, #tpu.memory_space<hbm>> -> memref<32768xf32, #tpu.memory_space<hbm>>
        tpu.enqueue_dma source(%dma_start3A_57 : memref<32768xf32, #tpu.memory_space<hbm>>) target(%arg6 : memref<32768xf32, #tpu.memory_space<vmem>>) target_semaphore(%arg10 : memref<!tpu.dma_semaphore, #tpu.memory_space<semaphore_mem>>)
      } else {
      }
      scf.yield %scan3A_42 : vector<16xf32>
    }
    %scan3A_13 = arith.constant 32 : i32
    %swap3A = arith.constant 0 : index
    %swap3A_14 = tpu.vector_load %arg8[%swap3A] {strides = array<i32>} : memref<16xf32, #tpu.memory_space<vmem>>, vector<16xf32>,
    tpu.vector_store %arg8[%swap3A], %scan3A_12 {strides = array<i32>} : memref<16xf32, #tpu.memory_space<vmem>>, vector<16xf32>,
    "tpu.region"() ({
      %run_scoped3A = tpu.sem_alloc : memref<!tpu.dma_semaphore, #tpu.memory_space<semaphore_mem>>
      %dma_start3A_15 = arith.constant 0 : i32
      %dma_start3A_16 = tpu.memref_slice %arg4[%add3A, %dma_start3A_15] : memref<32x16xf32, #tpu.memory_space<hbm>> -> memref<1x16xf32, #tpu.memory_space<hbm>>
      %dma_start3A_17 = tpu.memref_squeeze %dma_start3A_16 : memref<1x16xf32, #tpu.memory_space<hbm>> -> memref<16xf32, #tpu.memory_space<hbm>>
      %dma_start3A_18 = arith.constant 0 : i32
      %dma_start3A_19 = tpu.memref_slice %arg4[%add3A, %dma_start3A_18] : memref<32x16xf32, #tpu.memory_space<hbm>> -> memref<1x16xf32, #tpu.memory_space<hbm>>
      %dma_start3A_20 = tpu.memref_squeeze %dma_start3A_19 : memref<1x16xf32, #tpu.memory_space<hbm>> -> memref<16xf32, #tpu.memory_space<hbm>>
      tpu.enqueue_dma source(%arg8 : memref<16xf32, #tpu.memory_space<vmem>>) target(%dma_start3A_20 : memref<16xf32, #tpu.memory_space<hbm>>) target_semaphore(%run_scoped3A : memref<!tpu.dma_semaphore, #tpu.memory_space<semaphore_mem>>)
      %dma_wait3A = arith.constant 0 : i32
      %dma_wait3A_21 = tpu.memref_slice %arg4[%add3A, %dma_wait3A] : memref<32x16xf32, #tpu.memory_space<hbm>> -> memref<1x16xf32, #tpu.memory_space<hbm>>
      %dma_wait3A_22 = tpu.memref_squeeze %dma_wait3A_21 : memref<1x16xf32, #tpu.memory_space<hbm>> -> memref<16xf32, #tpu.memory_space<hbm>>
      %dma_wait3A_23 = arith.constant 0 : i32
      %dma_wait3A_24 = tpu.memref_slice %arg4[%add3A, %dma_wait3A_23] : memref<32x16xf32, #tpu.memory_space<hbm>> -> memref<1x16xf32, #tpu.memory_space<hbm>>
      %dma_wait3A_25 = tpu.memref_squeeze %dma_wait3A_24 : memref<1x16xf32, #tpu.memory_space<hbm>> -> memref<16xf32, #tpu.memory_space<hbm>>
      tpu.wait_dma2 semaphore(%run_scoped3A : memref<!tpu.dma_semaphore, #tpu.memory_space<semaphore_mem>>) src(%arg8 : memref<16xf32, #tpu.memory_space<vmem>>) dst(%dma_wait3A_25 : memref<16xf32, #tpu.memory_space<hbm>>)
      tpu.yield
    }) : () -> ()
    return
  }
}

</mosaic_0001>

<sc_bundles>
// kernel: kernel.3.cloned.1.call-start
scs
__scs_entry_jumppad:
0x0: {  	(pc) =	sbr.rel $0x88, $3  }
0x1: {  	(tag) =	ssettag $0x0;
	lr =	simm.s32 $0x1  }
0x2: {  	[smem:$0x3F9F] =	sst lr;
	_ =	strace $0xD0000000  }
0x3: {  	_ = 	snop  }
0x4: {  	_ = 	snop  }
0x5: {  	_ = 	snop  }
0x6: {  	_ = 	snop  }
0x7: {  	_ = 	snop  }
__scs_overlays_trampoline_lowered:
0x8: {  	[smem:$0x3FAE] =	sst s0  }
0x9: {  	[smem:$0x3FAF] =	sst s1  }
0xa: {  	[smem:$0x3FB0] =	sst s2  }
0xb: {  	[smem:$0x3FB1] =	sst s3  }
0xc: {  	[smem:$0x3FB2] =	sst s4  }
0xd: {  	[smem:$0x3FB3] =	sst s5  }
0xe: {  	[smem:$0x3FB4] =	sst s6  }
0xf: {  	[smem:$0x3FB5] =	sst s7  }
0x10: {  	[smem:$0x3FB6] =	sst s8  }
0x11: {  	[smem:$0x3FB7] =	sst s9;
	s0 =	simm.s32 @!p0 $0x0  }
0x12: {  	s1 =	sld [smem:$0x3F9D];
	s0 =	simm.s32 @p0 $0x1  }
0x13: {  	[smem:$0x3FB8] =	sst s0;
	s0 =	simm.s32 @!p1 $0x0  }
0x14: {  	s2 =	sld [smem:$0x3F9C];
	s0 =	simm.s32 @p1 $0x1  }
0x15: {  	[smem:$0x3FB9] =	sst s0;
	s0 =	simm.s32 @!p2 $0x0  }
0x16: {  	s3 =	sld [smem:$0x3FDB];
	s0 =	simm.s32 @p2 $0x1  }
0x17: {  	s4 =	simm.s32 $0x1BF5;
	[smem:$0x3FBB] =	sst s0  }
0x18: {  	s0 =	sld [smem:$0x3F9E];
	_ =	swait.ge [sflag:s4], $0x0  }
0x19: {  	s7 =	sld [smem:$0x3F9F]  }
0x1a: {  	s8 =	sadd.s32 $0xFFFFE003, lr  }
0x1b: {  	s9 =	sadd.s32 $0xFFFFFEF7, lr;
	s5 =	simm.s32 $0xFFFFFFFF;
	p2 =	slt.u32 s8, $0xFFFFF086  }
0x1c: {  	p1 =	slt.u32 s9, $0xF7A;
	s5 =	simm.s32 @!p2 $0x0  }
0x1d: {  	s5 =	simm.s32 @p1 $0x1;
	p0 =	seq.s32 s7, s2  }
0x1e: {  	s7 =	smul.u32 @!p0 $0xF7A, s2;
	p2 =	seq.s32 @!p0 s5, $0x0  }
0x1f: {  	s9 =	smul.u32 $0xF7A, s1;
	s8 =	simm.s32 @!p0 $0x1BF5;
	p2 =	por !p2, p0  }
0x20: {  	[sflag:s8] =	ssyncset.s32 @!p0 $0xFFFFF086;
	s6 =	sadd.s32 @!p0 s3, s7;
	s7 =	simm.s32 @!p0 $0x108  }
0x21: {  	s3 =	sadd.s32 s3, s9;
	s6 =	sadd.s32 @!p0 $0x88, s6;
	s7 =	simm.s32 @p2 $0x1082  }
0x22: {  	[simem:s7], [sflag:s8] =	dma.local @!p0 [hbm:s6], $0xF7A  }
0x23: {  	s9 =	sor.u32 $0xD0000000, s2;
	s6 =	simm.s32 $0x108;
	_ =	swait.ge @!p0 [sflag:s8], $0x0  }
0x24: {  	s3 =	sadd.s32 $0x88, s3;
	s6 =	simm.s32 @!p1 $0x1082;
	[sflag:s4] =	ssyncset.s32 $0xFFFFF086  }
0x25: {  	[simem:s6], [sflag:s4] =	dma.local [hbm:s3], $0xF7A  }
0x26: {  	[smem:$0x3F9F] =	sst s1;
	(tag) =	ssettag s2;
	_ =	strace s9  }
0x27: {  	s1 =	sld [smem:$0x3FAF]  }
0x28: {  	s2 =	sld [smem:$0x3FB0]  }
0x29: {  	s4 =	sld [smem:$0x3FB2]  }
0x2a: {  	p0 =	seq.s32 s5, $0x0;
	s5 =	sld [smem:$0x3FB3]  }
0x2b: {  	s6 =	sld [smem:$0x3FB4]  }
0x2c: {  	s7 =	sld [smem:$0x3FB5]  }
0x2d: {  	s3 =	simm.s32 $0x108;
	s8 =	sld [smem:$0x3FB6]  }
0x2e: {  	s3 =	simm.s32 @!p0 $0x1082;
	s9 =	sld [smem:$0x3FB7]  }
0x2f: {  	lr =	sadd.s32 s0, s3;
	s0 =	sld [smem:$0x3FAE]  }
0x30: {  	s3 =	sld [smem:$0x3FB1]  }
0x31: {  	[smem:$0x3FBA] =	sst s10  }
0x32: {  	s10 =	sld [smem:$0x3FB8];
	_ =	sdelay $0x3  }
0x33: {  	p0 =	seq.s32 s10, $0x1;
	s10 =	sld [smem:$0x3FBA];
	_ =	sdelay $0x3  }
0x34: {  	[smem:$0x3FBA] =	sst s10  }
0x35: {  	s10 =	sld [smem:$0x3FB9];
	_ =	sdelay $0x3  }
0x36: {  	p1 =	seq.s32 s10, $0x1;
	s10 =	sld [smem:$0x3FBA];
	_ =	sdelay $0x3  }
0x37: {  	[smem:$0x3FBA] =	sst s10  }
0x38: {  	s10 =	sld [smem:$0x3FBB]  }
0x39: {  	_ = 	snop;
	(pc) =	sbr.ind lr, $3  }
0x3a: {  	_ = 	snop  }
0x3b: {  	_ = 	snop  }
0x3c: {  	p2 =	seq.s32 s10, $0x1;
	s10 =	sld [smem:$0x3FBA]  }
0x3d: {  	_ =	shalt  }
0x3e: {  	_ =	shalt  }
0x3f: {  	_ =	shalt  }
0x40: {  	_ =	shalt  }
0x41: {  	_ =	shalt  }
0x42: {  	_ =	shalt  }
0x43: {  	_ =	shalt  }
0x44: {  	_ =	shalt  }
0x45: {  	_ =	shalt  }
0x46: {  	_ =	shalt  }
0x47: {  	_ =	shalt  }
0x48: {  	_ =	shalt  }
0x49: {  	_ =	shalt  }
0x4a: {  	_ =	shalt  }
0x4b: {  	_ =	shalt  }
0x4c: {  	_ =	shalt  }
0x4d: {  	_ =	shalt  }
0x4e: {  	_ =	shalt  }
0x4f: {  	_ =	shalt  }
0x50: {  	_ =	shalt  }
0x51: {  	_ =	shalt  }
0x52: {  	_ =	shalt  }
0x53: {  	_ =	shalt  }
0x54: {  	_ =	shalt  }
0x55: {  	_ =	shalt  }
0x56: {  	_ =	shalt  }
0x57: {  	_ =	shalt  }
0x58: {  	_ =	shalt  }
0x59: {  	_ =	shalt  }
0x5a: {  	_ =	shalt  }
0x5b: {  	_ =	shalt  }
0x5c: {  	_ =	shalt  }
0x5d: {  	_ =	shalt  }
0x5e: {  	_ =	shalt  }
0x5f: {  	_ =	shalt  }
0x60: {  	_ =	shalt  }
0x61: {  	_ =	shalt  }
0x62: {  	_ =	shalt  }
0x63: {  	_ =	shalt  }
0x64: {  	_ =	shalt  }
0x65: {  	_ =	shalt  }
0x66: {  	_ =	shalt  }
0x67: {  	_ =	shalt  }
0x68: {  	_ =	shalt  }
0x69: {  	_ =	shalt  }
0x6a: {  	_ =	shalt  }
0x6b: {  	_ =	shalt  }
0x6c: {  	_ =	shalt  }
0x6d: {  	_ =	shalt  }
0x6e: {  	_ =	shalt  }
0x6f: {  	_ =	shalt  }
0x70: {  	_ =	shalt  }
0x71: {  	_ =	shalt  }
0x72: {  	_ =	shalt  }
0x73: {  	_ =	shalt  }
0x74: {  	_ =	shalt  }
0x75: {  	_ =	shalt  }
0x76: {  	_ =	shalt  }
0x77: {  	_ =	shalt  }
0x78: {  	_ =	shalt  }
0x79: {  	_ =	shalt  }
0x7a: {  	_ =	shalt  }
0x7b: {  	_ =	shalt  }
0x7c: {  	_ =	shalt  }
0x7d: {  	_ =	shalt  }
0x7e: {  	_ =	shalt  }
0x7f: {  	_ =	shalt  }
0x80: {  	_ =	shalt  }
0x81: {  	_ =	shalt  }
0x82: {  	_ =	shalt  }
0x83: {  	_ =	shalt  }
0x84: {  	_ =	shalt  }
0x85: {  	_ =	shalt  }
0x86: {  	_ =	shalt  }
0x87: {  	_ =	shalt  }
.Lfunc_end0:
.L_simem_size_0:
called_computation.1_lowered:
.L_overlay_start_0:
0x88: {  	s2 =	sld [smem:$0x3FD9]  }
0x89: {  	s3 =	sld [smem:$0x3FFE];
	_ =	sdelay $0x1  }
0x8a: {  	s1 =	srdreg.scid  }
0x8b: {  	s0 =	sand.u32 $0x1, s1  }
0x8c: {  	s16 =	sshll.u32 s0, $0xA;
	s2 =	sadd.s32 s3, s2  }
0x8d: {  	s2 =	sadd.s32 s2, s16  }
0x8e: {  	[smem:$0x3FC6] =	sst s2  }
0x8f: {  	_ = 	snop  }
0x90: {  	(tm) =	ssettm $0x1  }
0x91: {  	s17 =	sld [smem:$0x3FFB];
	_ =	sdelay $0x3  }
0x92: {  	_ =	strace s17  }
0x93: {  	s2 =	sld [smem:$0x3FFC];
	_ =	sdelay $0x3  }
0x94: {  	_ =	strace s2  }
0x95: {  	s2 =	sld [smem:$0x3FFD];
	_ =	sdelay $0x3  }
0x96: {  	_ =	strace s2  }
0x97: {  	_ =	strace $0x8FFFFFFF  }
0x98: {  	s18 =	sld [smem:$0x3FDB];
	_ =	sdelay $0x1  }
0x99: {  	s19 =	simm.s32 $_scs_section_size  }
0x9a: {  	s4 =	simm.s32 $_size__tile_overlayer_lowered;
	s5 =	simm.s32 $_tile_overlayer_lowered  }
0x9b: {  	s22 =	simm.s32 $0x1BFF;
	s21 =	sshll.u32 s5, $0x1;
	s2 =	sadd.s32 s19, s18  }
0x9c: {  	s6 =	simm.s32 $0x0;
	s20 =	sshll.u32 s4, $0x1;
	s4 =	sadd.s32 s21, s2  }
0x9d: {  	[timem:s6], [sflag:s22] =	dma.local [hbm:s4], s20  }
0x9e: {  	_ =	swait.ge [sflag:s22], s20  }
0x9f: {  	s3 =	ssub.s32 $0x0, s20;
	[sflag:s22] =	ssyncset.done $0x0  }
0xa0: {  	[sflag:s22] =	ssyncadd.s32 s3;
	_ =	sdelay $0x1  }
0xa1: {  	s23 =	simm.s32 $0x1B8B  }
0xa2: {  	_ =	swait.ge [sflag:s23], $0x1  }
0xa3: {  	[sflag:s23] =	ssyncset.done $0x0  }
0xa4: {  	s25 =	simm.s32 $0x1B8E;
	s24 =	sld [smem:$0x3FFE];
	[sflag:s23] =	ssyncadd.s32 $0xFFFFFFFF  }
0xa5: {  	s26 =	simm.s32 $execute0_lowered;
	[smem:$0x3FD2] =	sst s25  }
0xa6: {  	s4 =	sshll.u32 s26, $0x1;
	_ =	strace $0x80000049;
	[dreg:$0x1] =	wrdreg $0xFFFFFFFF  }
0xa7: {  	s28 =	simm.s32 $_size_execute0_lowered;
	s2 =	sadd.s32 s2, s4;
	[dreg:$0x0] =	wrdreg $0x0  }
0xa8: {  	s4 =	sshll.u32 s28, $0x1;
	[dreg:$0x2] =	wrdreg s2  }
0xa9: {  	[dreg:$0x3] =	wrdreg s4  }
0xaa: {  	[dreg:$0x4] =	wrdreg $0xC0  }
0xab: {  	_ =	task [dreg:s6], $0x5FFFF  }
0xac: {  	[dreg:$0x1] =	wrdreg $0xFFFFFFFF  }
0xad: {  	[dreg:$0x0] =	wrdreg $0x60  }
0xae: {  	[dreg:$0x2] =	wrdreg s24  }
0xaf: {  	[dreg:$0x3] =	wrdreg $0x9  }
0xb0: {  	_ =	task.clear_ibuf [dreg:s6], $0x4FFFF;
	_ =	strace $0x90000049  }
0xb1: {  	s29 =	simm.s32 $0x9;
	_ =	strace $0x8000004B  }
0xb2: {  	_ =	swait.ge [sflag:s29], $0x1  }
0xb3: {  	[sflag:s29] =	ssyncadd.s32 $0xFFFFFFFF  }
0xb4: {  	_ =	strace $0x9000004B  }
0xb5: {  	_ =	sfence  }
0xb6: {  	s30 =	sld [smem:$0x0];
	_ =	sdelay $0x2  }
0xb7: {  	s31 =	sshll.u32 s1, $0xD;
	s1 =	sshrl.u32 s1, $0x2  }
0xb8: {  	s3 =	sand.u32 $0x4000, s31;
	s1 =	sadd.s32 s1, s30  }
0xb9: {  	s0 =	sor.u32 s3, s0;
	s1 =	sshll.u32 s1, $0x11  }
0xba: {  	s0 =	sor.u32 s1, s0  }
0xbb: {  	s0 =	sadd.s32 $0x8F2B, s0  }
0xbc: {  	[sflag:s0] =	ssyncadd.remote.s32 $0x1  }
0xbd: {  	_ =	sfence.sel $0xFFFF  }
0xbe: {  	[dreg:$0x0] =	wrdreg $0xFFFFFFFF;
	(pc) =	sbr.abs _section_cstart, $3  }
0xbf: {  	[dreg:$0x1] =	wrdreg $0xFFFFFFFF  }
0xc0: {  	_ =	task.clear_ibuf [dreg:s6], $0x2FFFF;
	_ =	strace $0x9FFFFFFF  }
0xc1: {  	(tm) =	ssettm $0x7FFFFFFF  }
tec
execute0_lowered:
.L_overlay_start_1:
0x0: {  	(tag) =	ssettag $0x1  }
0x1: {  	s5 =	rddreg [dreg:$0x0]  }
0x2: {  	s0 =	rddreg [dreg:$0x1];
	s2 =	simm.s32 $0x0  }
0x3: {  	s3 =	srdreg.scid;
	s1 =	stileid.u32;
	s12 =	simm.s32 $0x3  }
0x4: {  	s13 =	simm.s32 $0x8000;
	s14 =	simm.s32 $0x1;
	s15 =	simm.s32 $0x2  }
0x5: {  	s16 =	simm.s32 $0x10100;
	s17 =	simm.s32 $0x0;
	[smem:$0x7FF] =	sst s2  }
0x6: {  	s6 =	sand.u32 $0x1, s3;
	s4 =	sshll.u32 s1, $0x1;
	s3 =	sadd.s32 $0x600, s5  }
0x7: {  	_ =	strace $0x8000004A;
	s7 =	sor.u32 s6, s4;
	s4 =	sadd.s32 $0x800600, s5  }
.Ltmp0:
0x8: {  	s6 =	ssub.s32 $0x2, s6;
	s8 =	sshll.u32 s7, $0x4;
	(pc) =	sbr.rel .LBB2_1-.Ltmp0, $4  }
0x9: {  	s30 =	sshrl.u32 s6, $0x1;
	s31 =	sshll.u32 s7, $0x12;
	s11 =	sshll.u32 s7, $0x15  }
0xa: {  	s9 =	sadd.s32 s8, s5;
	s10 =	ssub.s32 s6, s30;
	s5 =	sadd.s32 s3, s31  }
0xb: {  	s7 =	sor.u32 $0x10000, s11;
	s8 =	sor.u32 $0x18000, s11;
	s11 =	simm.s32 $0x10000  }
0xc: {  	s6 =	sadd.s32 $0x1000, s5;
	s9 =	sadd.s32 $0x800800, s9;
	s10 =	smax.u32 s10, $0x1  }
.LBB2_8:
0xd: {  	s17 =	sadd.s32 $0x1, s17  }
0xe: {  	p0 =	sne.s32 s17, s10  }
.Ltmp1:
0xf: {  	[tilespmem:$0x10100] =	vst v8;
	(pc) =	sbr.rel @!p0 .LBB2_9-.Ltmp1, $4  }
0x10: {  	[hbm4b:s9+s2] =	stream.linear.scatter [tilespmem:s16], [sflag:$0x3], $0x80, $0x38;
	[tilespmem:$0x10180] =	vst v63  }
0x11: {  	_ =	swait.ge [sflag:s12], $0x80  }
0x12: {  	[sflag:s12] =	ssyncset.done $0x0  }
0x13: {  	[sflag:s12] =	ssyncadd.s32 $0xFFFFFF80  }
.LBB2_1:
0x14: {  	[tilespmem:s11], [sflag:$0x3] =	stream.linear.gather [hbm4b:s4+s2], $0x100, $0x38;
	[tilespmem:$0x10180] =	vst v63  }
0x15: {  	_ =	swait.ge [sflag:s12], $0x100  }
0x16: {  	[sflag:s12] =	ssyncset.done $0x0  }
0x17: {  	[sflag:s12] =	ssyncadd.s32 $0xFFFFFF00  }
0x18: {  	[tilespmem:s2], [sflag:$0x1] =	stream.linear.gather [hbm4b:s5+s2], $0x8000, $0x38;
	[tilespmem:$0x10180] =	vst v63  }
0x19: {  	s18 =	simm.s32 $0x0  }
0x1a: {  	v8 =	vimm.f32 $0.0e+00;
	[tilespmem:s13], [sflag:$0x2] =	stream.linear.gather [hbm4b:s6+s2], $0x8000, $0x38;
	[tilespmem:$0x10180] =	vst v63  }
.LBB2_2:
0x1b: {  	_ =	swait.ge [sflag:s14], $0x8000  }
0x1c: {  	[sflag:s14] =	ssyncset.done $0x0  }
0x1d: {  	s19 =	simm.s32 $0x0;
	[sflag:s14] =	ssyncadd.s32 $0xFFFF8000  }
0x1e: {  	v0 =	vld [tilespmem:s19+$0x0]  }
0x1f: {  	v1 =	vld [tilespmem:s19+$0x10]  }
0x20: {  	v2 =	vld [tilespmem:s19+$0x70]  }
0x21: {  	v7 =	vld [tilespmem:s19+$0x20];
	_ =	sdelay $0x1  }
0x22: {  	v9 =	vld [tilespmem:s19+$0x30];
	v3 =	vadd.f32 $1.280000000e+02, v0  }
0x23: {  	v5 =	vld [tilespmem:s19+$0x60];
	v6 =	vadd.f32 $1.280000000e+02, v1  }
0x24: {  	v4 =	vld [tilespmem:s19+$0x40];
	v12 =	vadd.f32 $1.280000000e+02, v2;
	v3 =	vclamp.gez.f32 v3, $2.550000000e+02  }
0x25: {  	v11 =	vadd.f32 $1.280000000e+02, v7;
	v10 =	vclamp.gez.f32 v6, $2.550000000e+02;
	v6 =	vld [tilespmem:s19+$0x50];
	v3 =	vtrunc.f32 v3  }
0x26: {  	v15 =	vclamp.gez.f32 v12, $2.550000000e+02;
	v13 =	vcvt.f32.s32 v3  }
0x27: {  	v3 =	vtrunc.f32 v10;
	v10 =	vclamp.gez.f32 v11, $2.550000000e+02;
	v11 =	vadd.f32 $1.280000000e+02, v9  }
0x28: {  	v14 =	vcvt.f32.s32 v3;
	v3 =	vadd.f32 $1.280000000e+02, v5;
	v10 =	vtrunc.f32 v10  }
0x29: {  	v12 =	vadd.f32 $1.280000000e+02, v4;
	v16 =	vcvt.f32.s32 v10;
	v10 =	vclamp.gez.f32 v11, $2.550000000e+02  }
0x2a: {  	v10 =	vtrunc.f32 v10;
	v11 =	vadd.f32 $1.280000000e+02, v6;
	v17 =	vclamp.gez.f32 v3, $2.550000000e+02  }
0x2b: {  	v1 =	vadd.f32 $1.270000000e+02, v1;
	v18 =	vcvt.f32.s32 v10;
	v10 =	vclamp.gez.f32 v12, $2.550000000e+02  }
0x2c: {  	s19 =	simm.s32 $0x80;
	v3 =	vadd.f32 $1.270000000e+02, v2;
	v2 =	vtrunc.f32 v10;
	v11 =	vclamp.gez.f32 v11, $2.550000000e+02;
	v19 =	vld.idx.msk [tilespmem:v13+s11+$0x0], $0xffff  }
0x2d: {  	v12 =	vadd.f32 $1.270000000e+02, v0;
	v0 =	vld [tilespmem:s19+$0x70];
	v13 =	vcvt.s32.f32 v13;
	v10 =	vcvt.f32.s32 v2  }
0x2e: {  	v21 =	vadd.f32 $1.270000000e+02, v7;
	v17 =	vtrunc.f32 v17;
	v2 =	vtrunc.f32 v11;
	v20 =	vld.idx.msk [tilespmem:v14+s11+$0x0], $0xffff  }
0x2f: {  	v14 =	vcvt.s32.f32 v14;
	v11 =	vcvt.f32.s32 v2;
	v2 =	vld [tilespmem:s19+$0x0];
	v13 =	vsub.f32 v12, v13  }
0x30: {  	v5 =	vadd.f32 $1.270000000e+02, v5;
	v23 =	vcvt.s32.f32 v16;
	v7 =	vcvt.f32.s32 v17;
	v12 =	vld.idx.msk [tilespmem:v16+s11+$0x0], $0xffff  }
0x31: {  	v17 =	vtrunc.f32 v15;
	v22 =	vsub.f32 v1, v14;
	v1 =	vld [tilespmem:s19+$0x60];
	v19 =	vmul.f32 v13, v19  }
0x32: {  	v15 =	vcvt.s32.f32 v18;
	v14 =	vadd.f32 $1.270000000e+02, v9;
	v9 =	vcvt.f32.s32 v17;
	v13 =	vld.idx.msk [tilespmem:v18+s11+$0x0], $0xffff  }
0x33: {  	s20 =	simm.s32 $0x400;
	v18 =	vsub.f32 v21, v23;
	v17 =	vmul.f32 v22, v20;
	v16 =	vadd.f32 v19, v8;
	v8 =	vld.idx.msk [tilespmem:v10+s11+$0x0], $0xffff  }
.LBB2_3:
0x34: {  	p0 =	sne.s32 s20, $0x1FE00;
	v19 =	vld [tilespmem:s19+$0x10];
	v4 =	vadd.f32 $1.270000000e+02, v4;
	v10 =	vcvt.s32.f32 v10;
	v6 =	vadd.f32 $1.270000000e+02, v6  }
0x35: {  	v14 =	vsub.f32 v14, v15;
	v16 =	vadd.f32 v17, v16;
	v12 =	vmul.f32 v18, v12;
	v15 =	vld.idx.msk [tilespmem:v11+s11+$0x0], $0xffff  }
0x36: {  	v20 =	vadd.f32 $1.280000000e+02, v0;
	v17 =	vadd.f32 $1.280000000e+02, v2;
	v11 =	vcvt.s32.f32 v11;
	v18 =	vld [tilespmem:s19+$0x20]  }
0x37: {  	v13 =	vmul.f32 v14, v13;
	v4 =	vsub.f32 v4, v10;
	v12 =	vadd.f32 v12, v16;
	v10 =	vld.idx.msk [tilespmem:v7+s11+$0x0], $0xffff  }
0x38: {  	v14 =	vclamp.gez.f32 v17, $2.550000000e+02;
	v17 =	vadd.f32 $1.280000000e+02, v1;
	v7 =	vcvt.s32.f32 v7;
	v16 =	vld [tilespmem:s19+$0x30]  }
0x39: {  	v6 =	vsub.f32 v6, v11;
	v8 =	vmul.f32 v4, v8;
	v12 =	vadd.f32 v13, v12;
	v11 =	vld.idx.msk [tilespmem:v9+s11+$0x0], $0xffff  }
0x3a: {  	v13 =	vtrunc.f32 v14;
	v14 =	vadd.f32 $1.280000000e+02, v19;
	v9 =	vcvt.s32.f32 v9  }
0x3b: {  	v5 =	vsub.f32 v5, v7;
	v4 =	vld [tilespmem:s19+$0x40];
	v8 =	vadd.f32 v8, v12;
	v12 =	vmul.f32 v6, v15  }
0x3c: {  	v7 =	vcvt.f32.s32 v13;
	v13 =	vclamp.gez.f32 v14, $2.550000000e+02;
	v14 =	vadd.f32 $1.280000000e+02, v18  }
0x3d: {  	v3 =	vsub.f32 v3, v9;
	v5 =	vmul.f32 v5, v10;
	v6 =	vld [tilespmem:s19+$0x50];
	v8 =	vadd.f32 v12, v8  }
0x3e: {  	v9 =	vtrunc.f32 v13;
	v10 =	vclamp.gez.f32 v14, $2.550000000e+02;
	v12 =	vadd.f32 $1.280000000e+02, v16  }
0x3f: {  	v9 =	vcvt.f32.s32 v9;
	v3 =	vmul.f32 v3, v11;
	v5 =	vadd.f32 v5, v8  }
0x40: {  	v13 =	vclamp.gez.f32 v20, $2.550000000e+02;
	v8 =	vtrunc.f32 v10;
	v10 =	vadd.f32 $1.280000000e+02, v4  }
0x41: {  	v11 =	vclamp.gez.f32 v12, $2.550000000e+02;
	v8 =	vcvt.f32.s32 v8;
	v20 =	vadd.f32 v3, v5  }
0x42: {  	v3 =	vtrunc.f32 v11;
	v11 =	vclamp.gez.f32 v17, $2.550000000e+02;
	v5 =	vadd.f32 $1.280000000e+02, v6  }
0x43: {  	v15 =	vcvt.f32.s32 v3;
	v10 =	vclamp.gez.f32 v10, $2.550000000e+02;
	v3 =	vadd.f32 $1.270000000e+02, v0;
	v14 =	vld.idx.msk [tilespmem:v7+s11+$0x0], $0xffff  }
0x44: {  	v0 =	vtrunc.f32 v10;
	v12 =	vclamp.gez.f32 v5, $2.550000000e+02;
	v5 =	vadd.f32 $1.270000000e+02, v1  }
0x45: {  	s19 =	sshra.s32 s20, $0x2;
	v1 =	vadd.f32 $1.270000000e+02, v2;
	v2 =	vcvt.s32.f32 v7;
	v10 =	vcvt.f32.s32 v0;
	v17 =	vld.idx.msk [tilespmem:v9+s11+$0x0], $0xffff  }
0x46: {  	v19 =	vadd.f32 $1.270000000e+02, v19;
	v21 =	vtrunc.f32 v11;
	v7 =	vtrunc.f32 v12;
	v0 =	vld [tilespmem:s19+$0x70]  }
.Ltmp2:
0x47: {  	v9 =	vcvt.s32.f32 v9;
	v1 =	vsub.f32 v1, v2;
	v11 =	vcvt.f32.s32 v7;
	v12 =	vld.idx.msk [tilespmem:v8+s11+$0x0], $0xffff;
	(pc) =	sbr.rel @p0 .LBB2_3-.Ltmp2, $4  }
0x48: {  	v18 =	vadd.f32 $1.270000000e+02, v18;
	v7 =	vcvt.f32.s32 v21;
	v21 =	vtrunc.f32 v13;
	v2 =	vld [tilespmem:s19+$0x0]  }
0x49: {  	v19 =	vsub.f32 v19, v9;
	v8 =	vcvt.s32.f32 v8;
	v22 =	vmul.f32 v1, v14;
	v13 =	vld.idx.msk [tilespmem:v15+s11+$0x0], $0xffff  }
0x4a: {  	v9 =	vcvt.f32.s32 v21;
	v14 =	vadd.f32 $1.270000000e+02, v16;
	v15 =	vcvt.s32.f32 v15;
	v1 =	vld [tilespmem:s19+$0x60]  }
0x4b: {  	s20 =	sadd.s32 $0x200, s20;
	v18 =	vsub.f32 v18, v8;
	v16 =	vadd.f32 v22, v20;
	v17 =	vmul.f32 v19, v17;
	v8 =	vld.idx.msk [tilespmem:v10+s11+$0x0], $0xffff  }
0x4c: {  	_ =	sdelay $0x2  }
0x4d: {  	v4 =	vadd.f32 $1.270000000e+02, v4;
	v19 =	vld [tilespmem:s19+$0x10];
	v6 =	vadd.f32 $1.270000000e+02, v6;
	v10 =	vcvt.s32.f32 v10  }
0x4e: {  	v14 =	vsub.f32 v14, v15;
	v15 =	vld.idx.msk [tilespmem:v11+s11+$0x0], $0xffff;
	v20 =	vadd.f32 $1.280000000e+02, v0;
	v11 =	vcvt.s32.f32 v11  }
0x4f: {  	v16 =	vadd.f32 v17, v16;
	v12 =	vmul.f32 v18, v12;
	v17 =	vadd.f32 $1.280000000e+02, v2  }
0x50: {  	v13 =	vmul.f32 v14, v13;
	v4 =	vsub.f32 v4, v10;
	v10 =	vld.idx.msk [tilespmem:v7+s11+$0x0], $0xffff;
	v7 =	vcvt.s32.f32 v7  }
0x51: {  	v18 =	vld [tilespmem:s19+$0x20];
	v6 =	vsub.f32 v6, v11;
	v12 =	vadd.f32 v12, v16;
	v14 =	vclamp.gez.f32 v17, $2.550000000e+02  }
0x52: {  	v16 =	vld [tilespmem:s19+$0x30];
	v17 =	vadd.f32 $1.280000000e+02, v1;
	v4 =	vmul.f32 v4, v8;
	v11 =	vtrunc.f32 v14  }
0x53: {  	v8 =	vld.idx.msk [tilespmem:v9+s11+$0x0], $0xffff;
	v9 =	vcvt.s32.f32 v9;
	v5 =	vsub.f32 v5, v7;
	v14 =	vadd.f32 $1.280000000e+02, v19  }
0x54: {  	v6 =	vmul.f32 v6, v15;
	v15 =	vld [tilespmem:s19+$0x40];
	v7 =	vcvt.f32.s32 v11;
	v12 =	vadd.f32 v13, v12  }
0x55: {  	v13 =	vclamp.gez.f32 v20, $2.550000000e+02;
	v17 =	vclamp.gez.f32 v17, $2.550000000e+02;
	v3 =	vsub.f32 v3, v9  }
0x56: {  	v11 =	vclamp.gez.f32 v14, $2.550000000e+02;
	v14 =	vadd.f32 $1.280000000e+02, v18;
	v5 =	vmul.f32 v5, v10;
	v10 =	vld [tilespmem:s19+$0x50]  }
0x57: {  	v13 =	vtrunc.f32 v13;
	v4 =	vadd.f32 v4, v12;
	v9 =	vtrunc.f32 v11  }
0x58: {  	v11 =	vclamp.gez.f32 v14, $2.550000000e+02;
	v14 =	vadd.f32 $1.280000000e+02, v16;
	v9 =	vcvt.f32.s32 v9  }
0x59: {  	v3 =	vmul.f32 v3, v8;
	v8 =	vtrunc.f32 v11;
	v11 =	vadd.f32 $1.280000000e+02, v15  }
0x5a: {  	v4 =	vadd.f32 v6, v4;
	v14 =	vclamp.gez.f32 v14, $2.550000000e+02;
	v8 =	vcvt.f32.s32 v8  }
0x5b: {  	v12 =	vtrunc.f32 v14;
	v14 =	vadd.f32 $1.280000000e+02, v10;
	v11 =	vclamp.gez.f32 v11, $2.550000000e+02  }
0x5c: {  	v6 =	vcvt.f32.s32 v12;
	v11 =	vtrunc.f32 v11  }
0x5d: {  	v4 =	vadd.f32 v5, v4;
	v5 =	vld.idx.msk [tilespmem:v7+s11+$0x0], $0xffff;
	v12 =	vclamp.gez.f32 v14, $2.550000000e+02;
	v14 =	vcvt.s32.f32 v7  }
0x5e: {  	v2 =	vadd.f32 $1.270000000e+02, v2;
	v7 =	vcvt.f32.s32 v11;
	v11 =	vtrunc.f32 v12  }
0x5f: {  	v19 =	vadd.f32 $1.270000000e+02, v19;
	v12 =	vtrunc.f32 v17;
	v17 =	vld.idx.msk [tilespmem:v9+s11+$0x0], $0xffff;
	v11 =	vcvt.f32.s32 v11  }
0x60: {  	v9 =	vcvt.s32.f32 v9;
	v12 =	vcvt.f32.s32 v12;
	v2 =	vsub.f32 v2, v14  }
0x61: {  	v13 =	vcvt.f32.s32 v13;
	v3 =	vadd.f32 v3, v4;
	v14 =	vadd.f32 $1.270000000e+02, v18;
	v4 =	vld.idx.msk [tilespmem:v8+s11+$0x0], $0xffff  }
0x62: {  	v8 =	vcvt.s32.f32 v8;
	v2 =	vmul.f32 v2, v5;
	v5 =	vsub.f32 v19, v9  }
0x63: {  	p0 =	seq.s32 s18, $0x1F;
	s19 =	sshll.u32 s18, $0x10;
	v16 =	vadd.f32 $1.270000000e+02, v16;
	v9 =	vld.idx.msk [tilespmem:v6+s11+$0x0], $0xffff;
	v6 =	vcvt.s32.f32 v6  }
0x64: {  	s20 =	sadd.s32 @!p0 s19, s7;
	v18 =	vld.idx.msk [tilespmem:v7+s11+$0x0], $0xffff;
	v2 =	vadd.f32 v2, v3;
	v3 =	vmul.f32 v5, v17;
	v5 =	vsub.f32 v14, v8  }
0x65: {  	s20 =	sshrl.u32 @!p0 s20, $0x3;
	v14 =	vadd.f32 $1.270000000e+02, v15;
	v7 =	vcvt.s32.f32 v7;
	v8 =	vld.idx.msk [tilespmem:v11+s11+$0x0], $0xffff  }
0x66: {  	s21 =	simm.s32 @!p0 $0x0;
	s20 =	sadd.s32 @!p0 s3, s20;
	v15 =	vld.idx.msk [tilespmem:v12+s11+$0x0], $0xffff;
	v2 =	vadd.f32 v3, v2;
	v3 =	vmul.f32 v5, v4;
	v4 =	vsub.f32 v16, v6  }
0x67: {  	v5 =	vld.idx.msk [tilespmem:v13+s11+$0x0], $0xffff;
	v6 =	vadd.f32 $1.270000000e+02, v10;
	v10 =	vcvt.s32.f32 v11;
	[tilespmem:s21], [sflag:$0x1] =	stream.linear.gather @!p0 [hbm4b:s20+s21], $0x8000, $0x38  }
0x68: {  	_ =	swait.ge [sflag:s15], $0x8000;
	v2 =	vadd.f32 v3, v2;
	v3 =	vmul.f32 v4, v9;
	v4 =	vsub.f32 v14, v7  }
0x69: {  	v1 =	vadd.f32 $1.270000000e+02, v1;
	v7 =	vcvt.s32.f32 v12;
	[sflag:s15] =	ssyncset.done $0x0  }
0x6a: {  	s31 =	simm.s32 $0x0;
	[sflag:s15] =	ssyncadd.s32 $0xFFFF8000;
	v2 =	vadd.f32 v3, v2;
	v3 =	vmul.f32 v4, v18;
	v4 =	vsub.f32 v6, v10  }
0x6b: {  	v0 =	vadd.f32 $1.270000000e+02, v0;
	v6 =	vcvt.s32.f32 v13;
	v9 =	vld [tilespmem:s31+$0x8000]  }
0x6c: {  	v1 =	vsub.f32 v1, v7;
	v7 =	vld [tilespmem:s31+$0x8010];
	v2 =	vadd.f32 v3, v2;
	v3 =	vmul.f32 v4, v8;
	_ =	sdelay $0x1  }
0x6d: {  	v1 =	vmul.f32 v1, v15;
	v0 =	vsub.f32 v0, v6;
	v8 =	vld [tilespmem:s31+$0x8020];
	v2 =	vadd.f32 v3, v2  }
0x6e: {  	v3 =	vld [tilespmem:s31+$0x8070]  }
0x6f: {  	v13 =	vld [tilespmem:s31+$0x8030];
	v0 =	vmul.f32 v0, v5;
	v1 =	vadd.f32 v1, v2;
	v2 =	vadd.f32 $1.280000000e+02, v9  }
0x70: {  	v5 =	vld [tilespmem:s31+$0x8060];
	v6 =	vadd.f32 $1.280000000e+02, v7  }
0x71: {  	v4 =	vld [tilespmem:s31+$0x8040];
	v16 =	vadd.f32 v0, v1;
	v0 =	vclamp.gez.f32 v2, $2.550000000e+02  }
0x72: {  	v1 =	vclamp.gez.f32 v6, $2.550000000e+02;
	v2 =	vadd.f32 $1.280000000e+02, v8;
	v0 =	vtrunc.f32 v0  }
0x73: {  	v6 =	vld [tilespmem:s31+$0x8050];
	v10 =	vadd.f32 $1.280000000e+02, v3;
	v1 =	vtrunc.f32 v1;
	v0 =	vcvt.f32.s32 v0  }
0x74: {  	v11 =	vadd.f32 $1.280000000e+02, v13;
	v2 =	vclamp.gez.f32 v2, $2.550000000e+02;
	v1 =	vcvt.f32.s32 v1  }
0x75: {  	v12 =	vadd.f32 $1.280000000e+02, v5;
	v2 =	vtrunc.f32 v2;
	v14 =	vclamp.gez.f32 v10, $2.550000000e+02  }
0x76: {  	v10 =	vadd.f32 $1.280000000e+02, v4;
	v15 =	vcvt.f32.s32 v2;
	v2 =	vclamp.gez.f32 v11, $2.550000000e+02  }
0x77: {  	v21 =	vadd.f32 $1.270000000e+02, v7;
	v12 =	vclamp.gez.f32 v12, $2.550000000e+02;
	v2 =	vtrunc.f32 v2  }
0x78: {  	v11 =	vadd.f32 $1.280000000e+02, v6;
	v17 =	vcvt.f32.s32 v2;
	v2 =	vclamp.gez.f32 v10, $2.550000000e+02  }
0x79: {  	v9 =	vadd.f32 $1.270000000e+02, v9;
	v19 =	vcvt.s32.f32 v0;
	v2 =	vtrunc.f32 v2;
	v18 =	vld.idx.msk [tilespmem:v0+s11+$0x0], $0xffff  }
0x7a: {  	s20 =	simm.s32 $0x80;
	v3 =	vadd.f32 $1.270000000e+02, v3;
	v11 =	vclamp.gez.f32 v11, $2.550000000e+02;
	v20 =	vld.idx.msk [tilespmem:v1+s11+$0x0], $0xffff;
	v10 =	vcvt.f32.s32 v2  }
0x7b: {  	v5 =	vadd.f32 $1.270000000e+02, v5;
	v7 =	vtrunc.f32 v12;
	v0 =	vld [tilespmem:s20+$0x8070];
	v2 =	vtrunc.f32 v11  }
0x7c: {  	v12 =	vsub.f32 v9, v19;
	v1 =	vcvt.s32.f32 v1;
	v9 =	vcvt.f32.s32 v2;
	v2 =	vld [tilespmem:s20+$0x8000]  }
0x7d: {  	v7 =	vcvt.f32.s32 v7;
	v19 =	vadd.f32 $1.270000000e+02, v8;
	v8 =	vtrunc.f32 v14;
	v11 =	vld.idx.msk [tilespmem:v15+s11+$0x0], $0xffff  }
0x7e: {  	v22 =	vcvt.s32.f32 v15;
	v21 =	vsub.f32 v21, v1;
	v1 =	vld [tilespmem:s20+$0x8060];
	v18 =	vmul.f32 v12, v18  }
0x7f: {  	v14 =	vadd.f32 $1.270000000e+02, v13;
	v8 =	vcvt.f32.s32 v8;
	v15 =	vcvt.s32.f32 v17;
	v12 =	vld.idx.msk [tilespmem:v17+s11+$0x0], $0xffff  }
0x80: {  	s21 =	simm.s32 $0x400;
	v17 =	vmul.f32 v21, v20;
	v13 =	vld.idx.msk [tilespmem:v10+s11+$0x0], $0xffff;
	v16 =	vadd.f32 v18, v16;
	v18 =	vsub.f32 v19, v22  }
.LBB2_5:
0x81: {  	p1 =	sne.s32 s21, $0x1FE00;
	v19 =	vld [tilespmem:s20+$0x8010];
	v4 =	vadd.f32 $1.270000000e+02, v4;
	v10 =	vcvt.s32.f32 v10;
	v6 =	vadd.f32 $1.270000000e+02, v6  }
0x82: {  	v14 =	vsub.f32 v14, v15;
	v16 =	vadd.f32 v17, v16;
	v11 =	vmul.f32 v18, v11;
	v15 =	vld.idx.msk [tilespmem:v9+s11+$0x0], $0xffff  }
0x83: {  	v20 =	vadd.f32 $1.280000000e+02, v0;
	v17 =	vadd.f32 $1.280000000e+02, v2;
	v9 =	vcvt.s32.f32 v9;
	v18 =	vld [tilespmem:s20+$0x8020]  }
0x84: {  	v12 =	vmul.f32 v14, v12;
	v4 =	vsub.f32 v4, v10;
	v11 =	vadd.f32 v11, v16;
	v10 =	vld.idx.msk [tilespmem:v7+s11+$0x0], $0xffff  }
0x85: {  	v14 =	vclamp.gez.f32 v17, $2.550000000e+02;
	v17 =	vadd.f32 $1.280000000e+02, v1;
	v7 =	vcvt.s32.f32 v7;
	v16 =	vld [tilespmem:s20+$0x8030]  }
0x86: {  	v6 =	vsub.f32 v6, v9;
	v11 =	vadd.f32 v12, v11;
	v12 =	vmul.f32 v4, v13;
	v9 =	vld.idx.msk [tilespmem:v8+s11+$0x0], $0xffff  }
0x87: {  	v13 =	vtrunc.f32 v14;
	v14 =	vadd.f32 $1.280000000e+02, v19;
	v8 =	vcvt.s32.f32 v8  }
0x88: {  	v5 =	vsub.f32 v5, v7;
	v4 =	vld [tilespmem:s20+$0x8040];
	v11 =	vadd.f32 v12, v11;
	v12 =	vmul.f32 v6, v15  }
0x89: {  	v7 =	vcvt.f32.s32 v13;
	v13 =	vclamp.gez.f32 v14, $2.550000000e+02;
	v14 =	vadd.f32 $1.280000000e+02, v18  }
0x8a: {  	v3 =	vsub.f32 v3, v8;
	v5 =	vmul.f32 v5, v10;
	v6 =	vld [tilespmem:s20+$0x8050];
	v11 =	vadd.f32 v12, v11  }
0x8b: {  	v8 =	vtrunc.f32 v13;
	v10 =	vclamp.gez.f32 v14, $2.550000000e+02;
	v12 =	vadd.f32 $1.280000000e+02, v16  }
0x8c: {  	v8 =	vcvt.f32.s32 v8;
	v3 =	vmul.f32 v3, v9;
	v5 =	vadd.f32 v5, v11  }
0x8d: {  	v13 =	vclamp.gez.f32 v20, $2.550000000e+02;
	v9 =	vtrunc.f32 v10;
	v10 =	vadd.f32 $1.280000000e+02, v4  }
0x8e: {  	v14 =	vcvt.f32.s32 v9;
	v9 =	vclamp.gez.f32 v12, $2.550000000e+02;
	v20 =	vadd.f32 v3, v5  }
0x8f: {  	v3 =	vtrunc.f32 v9;
	v9 =	vclamp.gez.f32 v17, $2.550000000e+02;
	v5 =	vadd.f32 $1.280000000e+02, v6  }
0x90: {  	v15 =	vcvt.f32.s32 v3;
	v10 =	vclamp.gez.f32 v10, $2.550000000e+02;
	v3 =	vadd.f32 $1.270000000e+02, v0;
	v12 =	vld.idx.msk [tilespmem:v7+s11+$0x0], $0xffff  }
0x91: {  	v0 =	vtrunc.f32 v10;
	v11 =	vclamp.gez.f32 v5, $2.550000000e+02;
	v5 =	vadd.f32 $1.270000000e+02, v1  }
0x92: {  	s20 =	sshra.s32 s21, $0x2;
	v1 =	vadd.f32 $1.270000000e+02, v2;
	v2 =	vcvt.s32.f32 v7;
	v10 =	vcvt.f32.s32 v0;
	v17 =	vld.idx.msk [tilespmem:v8+s11+$0x0], $0xffff  }
0x93: {  	v19 =	vadd.f32 $1.270000000e+02, v19;
	v21 =	vtrunc.f32 v9;
	v7 =	vtrunc.f32 v11;
	v0 =	vld [tilespmem:s20+$0x8070]  }
.Ltmp3:
0x94: {  	v8 =	vcvt.s32.f32 v8;
	v1 =	vsub.f32 v1, v2;
	v9 =	vcvt.f32.s32 v7;
	v11 =	vld.idx.msk [tilespmem:v14+s11+$0x0], $0xffff;
	(pc) =	sbr.rel @p1 .LBB2_5-.Ltmp3, $4  }
0x95: {  	v18 =	vadd.f32 $1.270000000e+02, v18;
	v13 =	vtrunc.f32 v13;
	v7 =	vcvt.f32.s32 v21;
	v2 =	vld [tilespmem:s20+$0x8000]  }
0x96: {  	v22 =	vcvt.s32.f32 v14;
	v19 =	vsub.f32 v19, v8;
	v21 =	vmul.f32 v1, v12;
	v12 =	vld.idx.msk [tilespmem:v15+s11+$0x0], $0xffff  }
0x97: {  	v14 =	vadd.f32 $1.270000000e+02, v16;
	v8 =	vcvt.f32.s32 v13;
	v15 =	vcvt.s32.f32 v15;
	v1 =	vld [tilespmem:s20+$0x8060]  }
0x98: {  	s21 =	sadd.s32 $0x200, s21;
	v18 =	vsub.f32 v18, v22;
	v16 =	vadd.f32 v21, v20;
	v17 =	vmul.f32 v19, v17;
	v13 =	vld.idx.msk [tilespmem:v10+s11+$0x0], $0xffff  }
0x99: {  	_ =	sdelay $0x1  }
0x9a: {  	v4 =	vadd.f32 $1.270000000e+02, v4  }
0x9b: {  	v10 =	vcvt.s32.f32 v10;
	v6 =	vadd.f32 $1.270000000e+02, v6;
	v19 =	vld [tilespmem:s20+$0x8010];
	v14 =	vsub.f32 v14, v15  }
0x9c: {  	v32 =	vld.idx.msk [tilespmem:v9+s11+$0x0], $0xffff;
	v34 =	vadd.f32 $1.280000000e+02, v0;
	v9 =	vcvt.s32.f32 v9;
	v16 =	vadd.f32 v17, v16  }
0x9d: {  	v20 =	vld [tilespmem:s20+$0x8020];
	v11 =	vmul.f32 v18, v11;
	v33 =	vadd.f32 $1.280000000e+02, v2;
	v12 =	vmul.f32 v14, v12  }
0x9e: {  	v4 =	vsub.f32 v4, v10;
	v10 =	vld.idx.msk [tilespmem:v7+s11+$0x0], $0xffff;
	v7 =	vcvt.s32.f32 v7;
	v6 =	vsub.f32 v6, v9  }
0x9f: {  	v9 =	vld.idx.msk [tilespmem:v8+s11+$0x0], $0xffff;
	v8 =	vcvt.s32.f32 v8;
	v11 =	vadd.f32 v11, v16;
	v35 =	vclamp.gez.f32 v33, $2.550000000e+02  }
0xa0: {  	v36 =	vadd.f32 $1.280000000e+02, v1;
	v4 =	vmul.f32 v4, v13;
	v5 =	vsub.f32 v5, v7  }
0xa1: {  	v37 =	vld [tilespmem:s20+$0x8030];
	v38 =	vtrunc.f32 v35;
	v3 =	vsub.f32 v3, v8;
	v11 =	vadd.f32 v12, v11  }
0xa2: {  	v40 =	vld [tilespmem:s20+$0x8040];
	v39 =	vadd.f32 $1.280000000e+02, v19;
	v6 =	vmul.f32 v6, v32;
	v44 =	vclamp.gez.f32 v36, $2.550000000e+02  }
0xa3: {  	v7 =	vcvt.f32.s32 v38;
	v41 =	vadd.f32 $1.280000000e+02, v20;
	v12 =	vtrunc.f32 v44  }
0xa4: {  	v4 =	vadd.f32 v4, v11;
	v11 =	vclamp.gez.f32 v39, $2.550000000e+02;
	v5 =	vmul.f32 v5, v10  }
0xa5: {  	v42 =	vld [tilespmem:s20+$0x8050];
	v46 =	vadd.f32 $1.270000000e+02, v2;
	v10 =	vclamp.gez.f32 v41, $2.550000000e+02;
	v8 =	vtrunc.f32 v11  }
0xa6: {  	v3 =	vmul.f32 v3, v9;
	v11 =	vadd.f32 $1.280000000e+02, v37;
	v8 =	vcvt.f32.s32 v8  }
0xa7: {  	v9 =	vadd.f32 $1.280000000e+02, v40;
	v4 =	vadd.f32 v6, v4;
	v6 =	vtrunc.f32 v10  }
0xa8: {  	v48 =	vadd.f32 $1.270000000e+02, v19;
	v11 =	vclamp.gez.f32 v11, $2.550000000e+02;
	v43 =	vcvt.f32.s32 v6  }
0xa9: {  	v49 =	vadd.f32 $1.270000000e+02, v20;
	v9 =	vclamp.gez.f32 v9, $2.550000000e+02;
	v6 =	vtrunc.f32 v11  }
0xaa: {  	v9 =	vtrunc.f32 v9;
	v11 =	vadd.f32 $1.280000000e+02, v42;
	v45 =	vld.idx.msk [tilespmem:v7+s11+$0x0], $0xffff;
	v6 =	vcvt.f32.s32 v6  }
0xab: {  	v51 =	vadd.f32 $1.270000000e+02, v37;
	v7 =	vcvt.s32.f32 v7;
	v9 =	vcvt.f32.s32 v9  }
0xac: {  	v10 =	vclamp.gez.f32 v34, $2.550000000e+02;
	v4 =	vadd.f32 v5, v4;
	v11 =	vclamp.gez.f32 v11, $2.550000000e+02;
	v47 =	vld.idx.msk [tilespmem:v8+s11+$0x0], $0xffff  }
0xad: {  	v2 =	vsub.f32 v46, v7;
	v7 =	vcvt.s32.f32 v8;
	v11 =	vtrunc.f32 v11  }
0xae: {  	v5 =	vcvt.s32.f32 v43;
	v3 =	vadd.f32 v3, v4;
	v11 =	vcvt.f32.s32 v11;
	v8 =	vld.idx.msk [tilespmem:v43+s11+$0x0], $0xffff  }
0xaf: {  	v50 =	vsub.f32 v48, v7;
	v7 =	vtrunc.f32 v10;
	v2 =	vmul.f32 v2, v45  }
0xb0: {  	v12 =	vcvt.f32.s32 v12;
	v53 =	vsub.f32 v49, v5;
	v54 =	vcvt.f32.s32 v7;
	v10 =	vld.idx.msk [tilespmem:v6+s11+$0x0], $0xffff  }
0xb1: {  	v7 =	vld.idx.msk [tilespmem:v9+s11+$0x0], $0xffff;
	v6 =	vcvt.s32.f32 v6;
	v2 =	vadd.f32 v2, v3;
	v52 =	vmul.f32 v50, v47  }
0xb2: {  	v14 =	vadd.f32 $1.270000000e+02, v40;
	v9 =	vcvt.s32.f32 v9  }
0xb3: {  	v56 =	vsub.f32 v51, v6;
	v55 =	vmul.f32 v53, v8;
	v2 =	vadd.f32 v52, v2  }
0xb4: {  	v58 =	vsub.f32 v14, v9;
	v6 =	vadd.f32 $1.270000000e+02, v42;
	v8 =	vld.idx.msk [tilespmem:v11+s11+$0x0], $0xffff  }
0xb5: {  	v11 =	vcvt.s32.f32 v11;
	v57 =	vmul.f32 v56, v10;
	v2 =	vadd.f32 v55, v2  }
0xb6: {  	v59 =	vadd.f32 $1.270000000e+02, v1;
	v9 =	vld.idx.msk [tilespmem:v12+s11+$0x0], $0xffff;
	v60 =	vmul.f32 v58, v7  }
0xb7: {  	v10 =	vcvt.s32.f32 v12;
	v61 =	vsub.f32 v6, v11;
	v2 =	vadd.f32 v57, v2  }
0xb8: {  	v62 =	vadd.f32 $1.270000000e+02, v0;
	v5 =	vcvt.s32.f32 v54;
	v6 =	vld.idx.msk [tilespmem:v54+s11+$0x0], $0xffff  }
0xb9: {  	v1 =	vsub.f32 v59, v10;
	v63 =	vmul.f32 v61, v8;
	v2 =	vadd.f32 v60, v2;
	_ =	sdelay $0x1  }
.Ltmp4:
0xba: {  	v0 =	vsub.f32 v62, v5;
	v1 =	vmul.f32 v1, v9;
	v2 =	vadd.f32 v63, v2;
	(pc) =	sbr.rel @p0 .LBB2_8-.Ltmp4, $3  }
0xbb: {  	_ = 	snop  }
0xbc: {  	v0 =	vmul.f32 v0, v6;
	v1 =	vadd.f32 v1, v2;
	_ =	sdelay $0x1  }
0xbd: {  	v8 =	vadd.f32 v0, v1  }
.Ltmp5:
0xbe: {  	(pc) =	sbr.rel .LBB2_2-.Ltmp5, $4  }
0xbf: {  	s19 =	sadd.s32 s19, s8  }
0xc0: {  	s19 =	sshrl.u32 s19, $0x3  }
0xc1: {  	s18 =	sadd.s32 $0x1, s18;
	s19 =	sadd.s32 s3, s19  }
0xc2: {  	[tilespmem:s13], [sflag:$0x2] =	stream.linear.gather [hbm4b:s19+s2], $0x8000, $0x38;
	[tilespmem:$0x10180] =	vst v63  }
.LBB2_9:
0xc3: {  	_ =	sfence.sel $0x180000  }
0xc4: {  	[bflag:$0x0] =	sbarrier.arrive $0xFFFF  }
0xc5: {  	p0 =	sne.s32 s1, $0x0;
	_ =	strace $0x9000004A  }
0xc6: {  	s0 =	sadd.s32 @!p0 $0x100000, s0;
	[bflag:$0x2] =	sbarrier.arrive $0xFFFF  }
0xc7: {  	[sflag:s0] =	ssyncadd.tile.s32 @!p0 $0x1;
	_ =	shalt  }
.Lfunc_end2:
_tile_overlayer_lowered:
.L_overlay_start_2:
0xc8: {  	(tag) =	ssettag $0x2  }
0xc9: {  	s0 =	rddreg [dreg:$0x0];
	s2 =	stileid.u32  }
0xca: {  	s1 =	rddreg [dreg:$0x1];
	p0 =	sne.s32 s2, $0x0  }
0xcb: {  	s3 =	rddreg [dreg:$0x2];
	[bflag:$0x3] =	sbarrier.arrive $0xFFFF;
	s2 =	simm.s32 @!p0 $0x1C03  }
0xcc: {  	[timem:s3], [sflag:s2] =	dma.local @!p0 [hbm:s0], s1  }
0xcd: {  	s0 =	simm.s32 @!p0 $0x3  }
0xce: {  	_ =	swait.ge @!p0 [sflag:s0], s1  }
0xcf: {  	s1 =	ssub.s32 @!p0 $0x0, s1;
	[sflag:s0] =	ssyncset.done @!p0 $0x0  }
0xd0: {  	[sflag:s0] =	ssyncadd.s32 @!p0 s1  }
0xd1: {  	[bflag:$0x3] =	sbarrier.arrive $0xFFFF  }
0xd2: {  	_ =	shalt  }

// kernel: sparse-core-data-format-call.cloned.1.call-start
scs
called_computation_lowered:
.L_overlay_start_0:
0x0: {  	s2 =	sld [smem:$0x3FD9]  }
0x1: {  	s3 =	sld [smem:$0x3FFE];
	_ =	sdelay $0x1  }
0x2: {  	s1 =	srdreg.scid  }
0x3: {  	s0 =	sand.u32 $0x1, s1  }
0x4: {  	s18 =	sshll.u32 s0, $0xA;
	s2 =	sadd.s32 s3, s2  }
0x5: {  	s2 =	sadd.s32 s2, s18  }
0x6: {  	[smem:$0x3FC6] =	sst s2  }
0x7: {  	_ = 	snop  }
0x8: {  	s2 =	sld [smem:$0x3FC9];
	(tm) =	ssettm $0x1  }
0x9: {  	s19 =	sld [smem:$0x3FFB];
	_ =	sdelay $0x3  }
0xa: {  	_ =	strace s19  }
0xb: {  	s3 =	sld [smem:$0x3FFC];
	_ =	sdelay $0x3  }
0xc: {  	_ =	strace s3  }
0xd: {  	s3 =	sld [smem:$0x3FFD];
	_ =	sdelay $0x3  }
0xe: {  	_ =	strace s3  }
0xf: {  	_ =	strace $0x8FFFFFFF  }
0x10: {  	s20 =	sld [smem:$0x3FDB];
	_ =	sdelay $0x1  }
0x11: {  	s4 =	simm.s32 $_scs_section_size  }
0x12: {  	s5 =	simm.s32 $_size__tile_overlayer_lowered;
	s6 =	simm.s32 $_tile_overlayer_lowered  }
0x13: {  	s23 =	simm.s32 $0x1BFF;
	s22 =	sshll.u32 s6, $0x1;
	s3 =	sadd.s32 s4, s20  }
0x14: {  	s7 =	simm.s32 $0x0;
	s21 =	sshll.u32 s5, $0x1;
	s5 =	sadd.s32 s22, s3  }
0x15: {  	[timem:s7], [sflag:s23] =	dma.local [hbm:s5], s21  }
0x16: {  	_ =	swait.ge [sflag:s23], s21  }
0x17: {  	s4 =	ssub.s32 $0x0, s21;
	[sflag:s23] =	ssyncset.done $0x0  }
0x18: {  	[sflag:s23] =	ssyncadd.s32 s4;
	_ =	sdelay $0x1  }
0x19: {  	s24 =	simm.s32 $0x1B8B  }
0x1a: {  	_ =	swait.ge [sflag:s24], $0x1  }
0x1b: {  	[sflag:s24] =	ssyncset.done $0x0  }
0x1c: {  	s26 =	simm.s32 $0x1B8E;
	s25 =	sld [smem:$0x3FFE];
	[sflag:s24] =	ssyncadd.s32 $0xFFFFFFFF  }
0x1d: {  	s27 =	simm.s32 $execute0_lowered;
	[smem:$0x3FD2] =	sst s26  }
0x1e: {  	s5 =	sshll.u32 s27, $0x1;
	_ =	strace $0x80000046;
	[dreg:$0x1] =	wrdreg $0xFFFFFFFF  }
0x1f: {  	s28 =	simm.s32 $_size_execute0_lowered;
	s3 =	sadd.s32 s3, s5;
	[dreg:$0x0] =	wrdreg $0x0  }
0x20: {  	s5 =	sshll.u32 s28, $0x1;
	[dreg:$0x2] =	wrdreg s3  }
0x21: {  	[dreg:$0x3] =	wrdreg s5  }
0x22: {  	[dreg:$0x4] =	wrdreg $0xC0  }
0x23: {  	_ =	task [dreg:s7], $0x5FFFF  }
0x24: {  	[dreg:$0x1] =	wrdreg $0xFFFFFFFF  }
0x25: {  	[dreg:$0x0] =	wrdreg $0x60  }
0x26: {  	[dreg:$0x2] =	wrdreg s2  }
0x27: {  	[dreg:$0x3] =	wrdreg s25  }
0x28: {  	[dreg:$0x4] =	wrdreg $0x9  }
0x29: {  	_ =	task.clear_ibuf [dreg:s7], $0x5FFFF;
	_ =	strace $0x90000046  }
0x2a: {  	s29 =	simm.s32 $0x9;
	_ =	strace $0x80000048  }
0x2b: {  	_ =	swait.ge [sflag:s29], $0x1  }
0x2c: {  	[sflag:s29] =	ssyncadd.s32 $0xFFFFFFFF  }
0x2d: {  	_ =	strace $0x90000048  }
0x2e: {  	_ =	sfence  }
0x2f: {  	s30 =	sld [smem:$0x0];
	_ =	sdelay $0x2  }
0x30: {  	s31 =	sshll.u32 s1, $0xD;
	s1 =	sshrl.u32 s1, $0x2  }
0x31: {  	s3 =	sand.u32 $0x4000, s31;
	s1 =	sadd.s32 s1, s30  }
0x32: {  	s0 =	sor.u32 s3, s0;
	s1 =	sshll.u32 s1, $0x11  }
0x33: {  	s0 =	sor.u32 s1, s0  }
0x34: {  	s0 =	sadd.s32 $0x8F2B, s0  }
0x35: {  	[sflag:s0] =	ssyncadd.remote.s32 $0x1  }
0x36: {  	_ =	sfence.sel $0xFFFF  }
0x37: {  	[dreg:$0x0] =	wrdreg $0xFFFFFFFF;
	(pc) =	sbr.abs _section_cstart, $3  }
0x38: {  	[dreg:$0x1] =	wrdreg $0xFFFFFFFF  }
0x39: {  	_ =	task.clear_ibuf [dreg:s7], $0x2FFFF;
	_ =	strace $0x9FFFFFFF  }
0x3a: {  	(tm) =	ssettm $0x7FFFFFFF  }
0x3b: {  	_ =	shalt  }
tec
execute0_lowered:
.L_overlay_start_1:
0x0: {  	(tag) =	ssettag $0x1  }
0x1: {  	s2 =	rddreg [dreg:$0x0]  }
0x2: {  	s1 =	rddreg [dreg:$0x1]  }
0x3: {  	s0 =	rddreg [dreg:$0x2];
	_ =	strace $0x80000047;
	s4 =	srdreg.scid  }
0x4: {  	s6 =	simm.s32 $0x2;
	s11 =	simm.s32 $0x0;
	p0 =	por $0x0, $0x0  }
.Ltmp0:
0x5: {  	s7 =	simm.s32 $0x1000;
	s12 =	simm.s32 $0x0;
	(pc) =	sbr.rel .LBB1_1-.Ltmp0, $4  }
0x6: {  	s9 =	simm.s32 $0x0;
	s3 =	sadd.s32 $0x600, s1;
	s5 =	sshll.u32 s4, $0x4  }
0x7: {  	s1 =	stileid.u32;
	s4 =	simm.s32 $0x1;
	s5 =	sand.u32 $0x10, s5  }
0x8: {  	s8 =	simm.s32 $0x0;
	[sflag:s4] =	ssyncpa.u1 $0x0;
	s5 =	sor.u32 s1, s5  }
0x9: {  	[sflag:s6] =	ssyncpa.u1 $0x0;
	s6 =	simm.s32 $0x800;
	s10 =	smov.u32 s5  }
.LBB1_7:
0xa: {  	s13 =	sadd.s32 $0x10, s9  }
0xb: {  	s11 =	sadd.s32 $0x20, s10;
	s15 =	smov.u32 s10;
	p2 =	sgt.s32 s13, $0x1F  }
0xc: {  	p1 =	slt.u32 s8, $0x2;
	s15 =	smov.u32 @p2 s11  }
0xd: {  	s8 =	sadd.s32 $0x1, s8;
	s13 =	simm.s32 @p2 $0x0;
	p2 =	sgt.s32 s15, $0x7FF  }
0xe: {  	s15 =	smov.u32 @p2 s5;
	p2 =	sne.s32 s8, $0x82  }
.Ltmp1:
0xf: {  	_ = 	snop;
	(pc) =	sbr.rel @!p2 .LBB1_8-.Ltmp1, $4  }
0x10: {  	s14 =	simm.s32 @!p1 $0x2  }
0x11: {  	s12 =	smov.u32 s10;
	_ =	swait.ge @!p1 [sflag:s14], $0x4000  }
0x12: {  	p0 =	por !p0, !p0;
	s11 =	smov.u32 s9;
	[sflag:s14] =	ssyncset.done @!p1 $0x0  }
0x13: {  	s9 =	smov.u32 s13;
	[sflag:s14] =	ssyncadd.s32 @!p1 $0xFFFFC000;
	s10 =	smov.u32 s15  }
.LBB1_1:
0x14: {  	p1 =	sgt.u32 s8, $0x7F  }
0x15: {  	s13 =	sxor.u32 @!p1 $0xFFFFFFFF, s8;
	s14 =	sshll.u32 @!p1 s10, $0xC  }
0x16: {  	s15 =	sshll.u32 @!p1 s9, $0x7;
	s13 =	sshll.u32 @!p1 s13, $0xE;
	s14 =	sadd.s32 @!p1 s2, s14  }
0x17: {  	s13 =	sand.u32 @!p1 $0x4000, s13;
	s14 =	sadd.s32 @!p1 s15, s14;
	s15 =	simm.s32 @!p1 $0x0  }
0x18: {  	[tilespmem:s13], [sflag:$0x1] =	stream.linear.gather @!p1 [hbm4b:s14+s15], $0x4000, $0x38;
	[tilespmem:$0x10000] =	vst v63  }
0x19: {  	p1 =	seq.s32 s8, $0x0  }
0x1a: {  	p2 =	seq.s32 @!p1 s8, $0x81  }
0x1b: {  	p1 =	por p1, p2  }
.Ltmp2:
0x1c: {  	_ = 	snop;
	(pc) =	sbr.rel @p1 .LBB1_7-.Ltmp2, $1  }
0x1d: {  	_ =	sdelay $0x3  }
0x1e: {  	s13 =	simm.s32 $0x1;
	_ =	swait.ge [sflag:s4], $0x4000;
	s16 =	sshll.u32 s8, $0xE  }
0x1f: {  	s13 =	simm.s32 @!p0 $0x0;
	[sflag:s4] =	ssyncset.done $0x0;
	s31 =	sand.u32 $0x4000, s16  }
0x20: {  	s16 =	simm.s32 $0x0;
	s14 =	sshll.u32 s13, $0xE;
	[sflag:s4] =	ssyncadd.s32 $0xFFFFC000  }
0x21: {  	s13 =	sor.u32 $0x8040, s14;
	s15 =	sor.u32 $0x40, s14;
	s14 =	sor.u32 $0x8000, s31  }
.LBB1_3:
0x22: {  	v0 =	vmov s15;
	_ =	sdelay $0x3  }
0x23: {  	s18 =	simm.s32 $0x0  }
0x24: {  	v6 =	vld.idx.msk [tilespmem:v0+s18+$0x30 ss:$0x1], $0xffff  }
0x25: {  	v7 =	vld.idx.msk [tilespmem:v0+s18+$0xFFFFFFC0 ss:$0x1], $0xffff  }
0x26: {  	v5 =	vld.idx.msk [tilespmem:v0+s18+$0xFFFFFFD0 ss:$0x1], $0xffff  }
0x27: {  	v4 =	vld.idx.msk [tilespmem:v0+s18+$0xFFFFFFE0 ss:$0x1], $0xffff  }
0x28: {  	v3 =	vld.idx.msk [tilespmem:v0+s18+$0xFFFFFFF0 ss:$0x1], $0xffff  }
0x29: {  	v1 =	vld.idx.msk [tilespmem:v0+s18+$0x0 ss:$0x1], $0xffff  }
0x2a: {  	v2 =	vld.idx.msk [tilespmem:v0+s18+$0x10 ss:$0x1], $0xffff;
	[tilespmem:s13+$0x30] =	vst v6  }
0x2b: {  	s17 =	simm.s32 $0x80;
	s19 =	simm.s32 $0x400;
	[tilespmem:s13+$0xFFFFFFC0] =	vst v7;
	v6 =	vld.idx.msk [tilespmem:v0+s18+$0x20 ss:$0x1], $0xffff;
	s18 =	smov.u32 s13  }
.LBB1_4:
0x2c: {  	p1 =	sne.s32 s19, $0xE00;
	v7 =	vld.idx.msk [tilespmem:v0+s17+$0x30 ss:$0x1], $0xffff;
	[tilespmem:s18+$0xFFFFFFD0] =	vst v5  }
0x2d: {  	v8 =	vld.idx.msk [tilespmem:v0+s17+$0xFFFFFFC0 ss:$0x1], $0xffff;
	[tilespmem:s18+$0xFFFFFFE0] =	vst v4  }
0x2e: {  	v5 =	vld.idx.msk [tilespmem:v0+s17+$0xFFFFFFD0 ss:$0x1], $0xffff;
	[tilespmem:s18+$0xFFFFFFF0] =	vst v3  }
.Ltmp3:
0x2f: {  	v4 =	vld.idx.msk [tilespmem:v0+s17+$0xFFFFFFE0 ss:$0x1], $0xffff;
	[tilespmem:s18+$0x0] =	vst v1;
	(pc) =	sbr.rel @p1 .LBB1_4-.Ltmp3, $4  }
0x30: {  	v3 =	vld.idx.msk [tilespmem:v0+s17+$0xFFFFFFF0 ss:$0x1], $0xffff;
	[tilespmem:s18+$0x10] =	vst v2  }
0x31: {  	v1 =	vld.idx.msk [tilespmem:v0+s17+$0x0 ss:$0x1], $0xffff;
	[tilespmem:s18+$0x20] =	vst v6;
	s18 =	sadd.s32 $0x800, s18  }
0x32: {  	v2 =	vld.idx.msk [tilespmem:v0+s17+$0x10 ss:$0x1], $0xffff;
	[tilespmem:s18+$0x30] =	vst v7  }
0x33: {  	[tilespmem:s18+$0xFFFFFFC0] =	vst v8;
	v6 =	vld.idx.msk [tilespmem:v0+s17+$0x20 ss:$0x1], $0xffff;
	s17 =	sshra.s32 s19, $0x2;
	s19 =	sadd.s32 $0x200, s19  }
0x34: {  	_ =	sdelay $0x2  }
0x35: {  	[tilespmem:s18+$0xFFFFFFD0] =	vst v5  }
0x36: {  	v56 =	vld.idx.msk [tilespmem:v0+s17+$0x30 ss:$0x1], $0xffff;
	[tilespmem:s18+$0xFFFFFFE0] =	vst v4  }
0x37: {  	v57 =	vld.idx.msk [tilespmem:v0+s17+$0xFFFFFFC0 ss:$0x1], $0xffff;
	[tilespmem:s18+$0xFFFFFFF0] =	vst v3  }
0x38: {  	v58 =	vld.idx.msk [tilespmem:v0+s17+$0xFFFFFFD0 ss:$0x1], $0xffff;
	[tilespmem:s18+$0x0] =	vst v1  }
0x39: {  	v59 =	vld.idx.msk [tilespmem:v0+s17+$0xFFFFFFE0 ss:$0x1], $0xffff;
	[tilespmem:s18+$0x10] =	vst v2  }
0x3a: {  	v60 =	vld.idx.msk [tilespmem:v0+s17+$0xFFFFFFF0 ss:$0x1], $0xffff;
	s31 =	sadd.s32 $0x800, s18;
	[tilespmem:s18+$0x20] =	vst v6  }
0x3b: {  	v61 =	vld.idx.msk [tilespmem:v0+s17+$0x0 ss:$0x1], $0xffff;
	[tilespmem:s31+$0x30] =	vst v56  }
0x3c: {  	v62 =	vld.idx.msk [tilespmem:v0+s17+$0x10 ss:$0x1], $0xffff;
	s16 =	sadd.s32 $0x1, s16;
	[tilespmem:s31+$0xFFFFFFC0] =	vst v57  }
0x3d: {  	v63 =	vld.idx.msk [tilespmem:v0+s17+$0x20 ss:$0x1], $0xffff;
	p1 =	sne.s32 s16, $0x10;
	[tilespmem:s31+$0xFFFFFFD0] =	vst v58  }
.Ltmp4:
0x3e: {  	[tilespmem:s31+$0xFFFFFFE0] =	vst v59;
	(pc) =	sbr.rel @p1 .LBB1_3-.Ltmp4, $4  }
0x3f: {  	[tilespmem:s31+$0xFFFFFFF0] =	vst v60  }
0x40: {  	[tilespmem:s31+$0x0] =	vst v61  }
0x41: {  	[tilespmem:s31+$0x10] =	vst v62  }
0x42: {  	s13 =	sadd.s32 $0x80, s13;
	s15 =	sadd.s32 $0x400, s15;
	[tilespmem:s31+$0x20] =	vst v63  }
.Ltmp5:
0x43: {  	(pc) =	sbr.rel .LBB1_7-.Ltmp5, $4  }
0x44: {  	s12 =	sshll.u32 s12, $0xC;
	s11 =	sshll.u32 s11, $0x4  }
0x45: {  	s11 =	sand.u32 $0x1F0, s11;
	s12 =	sadd.s32 s3, s12  }
0x46: {  	s11 =	sadd.s32 s11, s12  }
0x47: {  	[hbm4b:s11+s6] =	stream.strided.scatter [tilespmem:s14], [sflag:$0x2], $0x4000, s7, s6, $0x38;
	[tilespmem:$0x10000] =	vst v63  }
.LBB1_8:
0x48: {  	_ =	sfence.sel $0x180000  }
0x49: {  	s2 =	simm.s32 $0x1;
	[bflag:$0x0] =	sbarrier.arrive $0xFFFF  }
0x4a: {  	s31 =	simm.s32 $0x2;
	[sflag:s2] =	ssyncpa.u1 $0x1  }
0x4b: {  	[sflag:s31] =	ssyncpa.u1 $0x1  }
0x4c: {  	p0 =	sne.s32 s1, $0x0;
	_ =	strace $0x90000047  }
0x4d: {  	s0 =	sadd.s32 @!p0 $0x100000, s0;
	[bflag:$0x2] =	sbarrier.arrive $0xFFFF  }
0x4e: {  	[sflag:s0] =	ssyncadd.tile.s32 @!p0 $0x1;
	_ =	shalt  }
.Lfunc_end1:
_tile_overlayer_lowered:
.L_overlay_start_2:
0x4f: {  	(tag) =	ssettag $0x2  }
0x50: {  	s0 =	rddreg [dreg:$0x0];
	s2 =	stileid.u32  }
0x51: {  	s1 =	rddreg [dreg:$0x1];
	p0 =	sne.s32 s2, $0x0  }
0x52: {  	s3 =	rddreg [dreg:$0x2];
	[bflag:$0x3] =	sbarrier.arrive $0xFFFF;
	s2 =	simm.s32 @!p0 $0x1C01  }
0x53: {  	[timem:s3], [sflag:s2] =	dma.local @!p0 [hbm:s0], s1  }
0x54: {  	s0 =	simm.s32 @!p0 $0x1  }
0x55: {  	_ =	swait.ge @!p0 [sflag:s0], s1  }
0x56: {  	s1 =	ssub.s32 @!p0 $0x0, s1;
	[sflag:s0] =	ssyncset.done @!p0 $0x0  }
0x57: {  	[sflag:s0] =	ssyncadd.s32 @!p0 s1  }
0x58: {  	[bflag:$0x3] =	sbarrier.arrive $0xFFFF  }
0x59: {  	_ =	shalt  }

</sc_bundles>
